<compile_context>
chip_gen: v7x
topology: tpu7x:2x2x1
jax: 0.10.2.dev20260603
libtpu: 0.0.44.dev20260713+nightly
codegen_flags: <defaults>
</compile_context>

<pallas_src>
import functools

import jax
import jax.numpy as jnp
from jax import lax
from jax.experimental import pallas as pl
from jax.experimental.pallas import tpu as pltpu
from jax.experimental.pallas import tpu_sc as plsc

_N = 10000
_D = 128
_E = 320000
_NC = 2
_NS = 16
_NW = _NC * _NS
_K = 128
_CH = -(-_E // (_NW * _K))
_EP = _CH * _K
_P = _EP * _NW
_NA = 10240
_ZR = _NA // _NS
_LAG = 4
_EPT = _E // _NW
_CHF = _EPT // _K
_TL = _EPT - _CHF * _K
_NDUM = _NA - _N


def _sc_mesh():
    return plsc.VectorSubcoreMesh(
        core_axis_name="c", subcore_axis_name="s",
        num_cores=_NC, num_subcores=_NS)


@functools.cache
def _sc_degree_kernel():
    return pl.kernel(
        _sc_degree_body,
        out_type=jax.ShapeDtypeStruct((_NC, _NA), jnp.float32),
        mesh=_sc_mesh(),
        scratch_types=[
            pltpu.VMEM_SHARED((_NA,), jnp.float32),
            pltpu.VMEM((_CHF * _K,), jnp.int32),
            pltpu.VMEM((_K,), jnp.int32),
            pltpu.VMEM((_K,), jnp.float32),
            pltpu.SemaphoreType.DMA,
        ],
    )


def _sc_degree_body(ei_hbm, z_hbm, out_hbm, deg_sh, sidx, sidx_t, ones_v, sem):
    c = lax.axis_index("c")
    s = lax.axis_index("s")
    w = c * _NS + s
    for j in range(_K // 16):
        ones_v[pl.ds(j * 16, 16)] = jnp.ones((16,), jnp.float32)
    lanes = lax.iota(jnp.int32, 16)
    for j in range(_K // 16):
        sidx_t[pl.ds(j * 16, 16)] = _N + (j * 16 + lanes + s * 13) % _NDUM
    pltpu.sync_copy(z_hbm, deg_sh.at[pl.ds(s * _ZR, _ZR)])
    pltpu.sync_copy(ei_hbm.at[pl.ds(w * _EPT, _CHF * _K)], sidx)
    pltpu.sync_copy(ei_hbm.at[pl.ds(w * _EPT + _CHF * _K, _TL)],
                    sidx_t.at[pl.ds(0, _TL)])
    plsc.subcore_barrier()

    @pl.loop(0, _CHF)
    def _fire(i):
        @pl.when(i >= _LAG)
        def _lagged_drain():
            pltpu.make_async_copy(ones_v, deg_sh.at[sidx.at[pl.ds(0, _K)]], sem).wait()
        pltpu.async_copy(ones_v, deg_sh.at[sidx.at[pl.ds(i * _K, _K)]], sem, add=True)

    pltpu.async_copy(ones_v, deg_sh.at[sidx_t], sem, add=True)

    @pl.loop(0, min(_LAG, _CHF) + 1)
    def _drain(i):
        pltpu.make_async_copy(ones_v, deg_sh.at[sidx.at[pl.ds(0, _K)]], sem).wait()

    plsc.subcore_barrier()
    pltpu.sync_copy(deg_sh.at[pl.ds(s * _ZR, _ZR)], out_hbm.at[c, pl.ds(s * _ZR, _ZR)])


_DN = 4


@functools.cache
def _sc_aggregate_kernel():
    return pl.kernel(
        _sc_aggregate_body,
        out_type=jax.ShapeDtypeStruct((_NC, _NA, _D), jnp.float32),
        mesh=_sc_mesh(),
        scratch_types=[
            pltpu.VMEM_SHARED((_NA, _D), jnp.float32),
            pltpu.VMEM((_CH, _K), jnp.int32),
            pltpu.VMEM((_DN, _K), jnp.int32),
            pltpu.VMEM((2, _K, _D), jnp.float32),
            pltpu.SemaphoreType.DMA,
            pltpu.SemaphoreType.DMA,
            pltpu.SemaphoreType.DMA,
            pltpu.SemaphoreType.DMA,
        ] + [pltpu.SemaphoreType.DMA] * _DN,
    )


def _sc_aggregate_body(y_hbm, sp_hbm, dp_hbm, z_hbm, out_hbm,
                       acc_sh, sidx, didx, rows, gsem0, gsem1,
                       ssem0, ssem1, *dsems):
    c = lax.axis_index("c")
    s = lax.axis_index("s")
    w = c * _NS + s
    pltpu.sync_copy(sp_hbm.at[w], sidx)
    pltpu.sync_copy(z_hbm, acc_sh.at[pl.ds(s * _ZR, _ZR)])

    gsems = (gsem0, gsem1)
    ssems = (ssem0, ssem1)

    def _start_gather(i, b):
        pltpu.async_copy(y_hbm.at[sidx.at[i]], rows.at[b], gsems[b])

    def _wait_gather(b):
        pltpu.make_async_copy(y_hbm.at[sidx.at[0]], rows.at[b], gsems[b]).wait()

    def _fire_scatter(sl, b):
        pltpu.async_copy(rows.at[b], acc_sh.at[didx.at[sl]], ssems[b], add=True)

    def _wait_scatter(b):
        pltpu.make_async_copy(rows.at[b], acc_sh.at[didx.at[0]],
                              ssems[b]).wait()

    def _fire_didx(i, sl):
        pltpu.async_copy(dp_hbm.at[w, i], didx.at[sl], dsems[sl])

    def _wait_didx(sl):
        pltpu.make_async_copy(dp_hbm.at[w, 0], didx.at[sl], dsems[sl]).wait()

    for j in range(2):
        _fire_didx(j, j)
    plsc.subcore_barrier()

    _start_gather(0, 0)

    @pl.loop(0, _CH, step=_DN)
    def _chunk(i):
        for b in range(_DN):
            j = i + b
            gb = b % 2
            @pl.when(j < _CH)
            def _step():
                @pl.when(j + 1 < _CH)
                def _prefetch():
                    @pl.when(j >= 1)
                    def _drain_prev():
                        _wait_scatter(1 - gb)
                    _start_gather(j + 1, 1 - gb)
                _wait_didx(b)
                _wait_gather(gb)
                _fire_scatter(b, gb)
                @pl.when(j + 2 < _CH)
                def _refill():
                    _fire_didx(j + 2, (b + 2) % _DN)

    _wait_scatter(0)
    _wait_scatter(1)
    plsc.subcore_barrier()
    pltpu.sync_copy(acc_sh.at[pl.ds(s * _ZR, _ZR)], out_hbm.at[c, pl.ds(s * _ZR, _ZR)])


def _d_broadcast(d_ref):
    dsum = d_ref[0:1, :] + d_ref[1:2, :] + 1.0
    db = lax.dot_general(dsum, jnp.ones((1, _D), jnp.float32),
                         (((0,), (0,)), ((), ())),
                         preferred_element_type=jnp.float32)
    return db[:_N, :]


def _tc_prescale_body(x_ref, d_ref, y_ref):
    db = _d_broadcast(d_ref)
    y_ref[...] = x_ref[...] * lax.rsqrt(db)


def _tc_prescale(x, deg2):
    return pl.pallas_call(
        _tc_prescale_body,
        out_shape=jax.ShapeDtypeStruct((_N, _D), jnp.float32),
    )(x, deg2)


def _tc_combine_body(x_ref, d_ref, a_ref, o_ref):
    db = _d_broadcast(d_ref)
    a = a_ref[0, :_N, :] + a_ref[1, :_N, :]
    xv = x_ref[...]
    o_ref[:, :_D] = xv
    o_ref[:, _D:] = a * lax.rsqrt(db) + xv / db


def _tc_combine(x, deg2, acc2):
    return pl.pallas_call(
        _tc_combine_body,
        out_shape=jax.ShapeDtypeStruct((_N, 2 * _D), jnp.float32),
    )(x, deg2, acc2)


def kernel(x, edge_index, features_idx):
    em = edge_index.reshape(2 * _E)
    zeros1 = jnp.zeros((_ZR,), jnp.float32)
    zeros2 = jnp.zeros((_ZR, _D), jnp.float32)

    npad = _EP - _EPT
    pad_s = jnp.broadcast_to(jnp.arange(_TL, _TL + npad, dtype=jnp.int32),
                             (_NW, npad))
    pad_d = _N + (jnp.arange(npad, dtype=jnp.int32)[None, :]
                  + 13 * jnp.arange(_NW, dtype=jnp.int32)[:, None]) % _NDUM
    srcp = jnp.concatenate(
        [edge_index[0].reshape(_NW, _EPT), pad_s], axis=1).reshape(_NW, _CH, _K)
    dstp = jnp.concatenate(
        [edge_index[1].reshape(_NW, _EPT), pad_d], axis=1).reshape(_NW, _CH, _K)

    deg2 = _sc_degree_kernel()(em, zeros1)
    y = _tc_prescale(x, deg2)
    acc2 = _sc_aggregate_kernel()(y, srcp, dstp, zeros2)
    return _tc_combine(x, deg2, acc2)

# --- scband reference (transcript-rebuilt; emitter-appended) ---
"""Pipeline reference for scband-one-hop-gcnnorm-node-label-aggregator-44023414784294 (READ-ONLY COPY).

The authoritative reference and input builder live on the scoring server;
editing this copy changes nothing except your own understanding.
"""

import jax, jax.numpy as jnp
import numpy as np

N_NODES = 10000
N_EDGES = 320000
D_FEAT = 128


def setup_inputs(seed: int = 0) -> dict:
    key = jax.random.key(seed)
    k1, k2 = jax.random.split(key)
    x = jax.random.normal(k1, (N_NODES, D_FEAT), dtype=jnp.float32)
    edge_index = jax.random.randint(k2, (2, N_EDGES), 0, N_NODES, dtype=jnp.int32)
    # features_idx from init_kwargs: full index range over concatenated features
    features_idx = jnp.arange(2 * D_FEAT, dtype=jnp.int32)
    return {"x": x, "edge_index": edge_index, "features_idx": features_idx}


def reference(x, edge_index, features_idx):
    n = x.shape[0]
    src = edge_index[0]
    dst = edge_index[1]
    # self loops (self_loops=True): SparseTensor rows=src, cols=dst, then gcn_norm adds identity
    loop = jnp.arange(n, dtype=src.dtype)
    rows = jnp.concatenate([src, loop])
    cols = jnp.concatenate([dst, loop])
    vals = jnp.ones(rows.shape[0], dtype=x.dtype)
    # gcn_norm: deg = row-sum of adj (with self loops); value *= deg^-1/2[row] * deg^-1/2[col]
    deg = jax.ops.segment_sum(vals, rows, num_segments=n)
    deg_safe = jnp.where(deg > 0, deg, 1.0)
    dis = jnp.where(deg > 0, jax.lax.rsqrt(deg_safe), 0.0)
    w = dis[rows] * dis[cols]
    # adj_norm.t().matmul(x): out[col] += w * x[row]
    agg = jnp.zeros_like(x).at[cols].add(w[:, None] * x[rows])
    node_labels = jnp.concatenate([x, agg], axis=-1)
    return node_labels[:, features_idx]

if __name__ == "__main__":
    import jax
    _d = setup_inputs()
    print(jax.jit(kernel)(*tuple(_d.values())))

</pallas_src>

<mosaic_0001>
#map = affine_map<(d0, d1) -> (0, 0)>
#map1 = affine_map<(d0, d1) -> (0, 0, 0)>
module attributes {stable_mosaic.version = 14 : i64} {
  func.func @_sc_aggregate_body(%arg0: i32, %arg1: i32, %arg2: memref<10000x128xf32, #tpu.memory_space<hbm>>, %arg3: memref<32x79x128xi32, #tpu.memory_space<hbm>>, %arg4: memref<32x79x128xi32, #tpu.memory_space<hbm>>, %arg5: memref<640x128xf32, #tpu.memory_space<hbm>>, %arg6: memref<2x10240x128xf32, #tpu.memory_space<hbm>>, %arg7: memref<10240x128xf32, #tpu.memory_space<vmem_shared>>, %arg8: memref<79x128xi32, #tpu.memory_space<vmem>>, %arg9: memref<4x128xi32, #tpu.memory_space<vmem>>, %arg10: memref<2x128x128xf32, #tpu.memory_space<vmem>>, %arg11: memref<!tpu.dma_semaphore, #tpu.memory_space<semaphore_mem>>, %arg12: memref<!tpu.dma_semaphore, #tpu.memory_space<semaphore_mem>>, %arg13: memref<!tpu.dma_semaphore, #tpu.memory_space<semaphore_mem>>, %arg14: memref<!tpu.dma_semaphore, #tpu.memory_space<semaphore_mem>>, %arg15: memref<!tpu.dma_semaphore, #tpu.memory_space<semaphore_mem>>, %arg16: memref<!tpu.dma_semaphore, #tpu.memory_space<semaphore_mem>>, %arg17: memref<!tpu.dma_semaphore, #tpu.memory_space<semaphore_mem>>, %arg18: memref<!tpu.dma_semaphore, #tpu.memory_space<semaphore_mem>>) attributes {dimension_semantics = [#tpu.dimension_semantics<core_parallel>, #tpu.dimension_semantics<subcore_parallel>], iteration_bounds = array<i64: 2, 16>, scalar_prefetch = 0 : i64, scratch_operands = 12 : i64, tpu.core_type = #tpu.core_type<sc_vector_subcore>, window_params = [{transform_indices = #map}, {transform_indices = #map1}, {transform_indices = #map1}, {transform_indices = #map}, {transform_indices = #map1}]} {
    %mul3A = arith.constant 16 : i32
    %mul3A_0 = arith.muli %arg0, %mul3A : i32
    %add3A = arith.addi %mul3A_0, %arg1 : i32
    "tpu.region"() ({
      %run_scoped3A = tpu.sem_alloc : memref<!tpu.dma_semaphore, #tpu.memory_space<semaphore_mem>>
      %dma_start3A_74 = arith.constant 0 : i32
      %dma_start3A_75 = arith.constant 0 : i32
      %dma_start3A_76 = tpu.memref_slice %arg3[%add3A, %dma_start3A_74, %dma_start3A_75] : memref<32x79x128xi32, #tpu.memory_space<hbm>> -> memref<1x79x128xi32, #tpu.memory_space<hbm>>
      %dma_start3A_77 = tpu.memref_squeeze %dma_start3A_76 : memref<1x79x128xi32, #tpu.memory_space<hbm>> -> memref<79x128xi32, #tpu.memory_space<hbm>>
      %dma_start3A_78 = arith.constant 0 : i32
      %dma_start3A_79 = arith.constant 0 : i32
      %dma_start3A_80 = tpu.memref_slice %arg3[%add3A, %dma_start3A_78, %dma_start3A_79] : memref<32x79x128xi32, #tpu.memory_space<hbm>> -> memref<1x79x128xi32, #tpu.memory_space<hbm>>
      %dma_start3A_81 = tpu.memref_squeeze %dma_start3A_80 : memref<1x79x128xi32, #tpu.memory_space<hbm>> -> memref<79x128xi32, #tpu.memory_space<hbm>>
      tpu.enqueue_dma source(%dma_start3A_81 : memref<79x128xi32, #tpu.memory_space<hbm>>) target(%arg8 : memref<79x128xi32, #tpu.memory_space<vmem>>) target_semaphore(%run_scoped3A : memref<!tpu.dma_semaphore, #tpu.memory_space<semaphore_mem>>)
      %dma_wait3A_82 = arith.constant 0 : i32
      %dma_wait3A_83 = arith.constant 0 : i32
      %dma_wait3A_84 = tpu.memref_slice %arg3[%add3A, %dma_wait3A_82, %dma_wait3A_83] : memref<32x79x128xi32, #tpu.memory_space<hbm>> -> memref<1x79x128xi32, #tpu.memory_space<hbm>>
      %dma_wait3A_85 = tpu.memref_squeeze %dma_wait3A_84 : memref<1x79x128xi32, #tpu.memory_space<hbm>> -> memref<79x128xi32, #tpu.memory_space<hbm>>
      %dma_wait3A_86 = arith.constant 0 : i32
      %dma_wait3A_87 = arith.constant 0 : i32
      %dma_wait3A_88 = tpu.memref_slice %arg3[%add3A, %dma_wait3A_86, %dma_wait3A_87] : memref<32x79x128xi32, #tpu.memory_space<hbm>> -> memref<1x79x128xi32, #tpu.memory_space<hbm>>
      %dma_wait3A_89 = tpu.memref_squeeze %dma_wait3A_88 : memref<1x79x128xi32, #tpu.memory_space<hbm>> -> memref<79x128xi32, #tpu.memory_space<hbm>>
      tpu.wait_dma2 semaphore(%run_scoped3A : memref<!tpu.dma_semaphore, #tpu.memory_space<semaphore_mem>>) src(%dma_wait3A_89 : memref<79x128xi32, #tpu.memory_space<hbm>>) dst(%arg8 : memref<79x128xi32, #tpu.memory_space<vmem>>)
      tpu.yield
    }) : () -> ()
    %mul3A_1 = arith.constant 640 : i32
    %mul3A_2 = arith.muli %arg1, %mul3A_1 : i32
    "tpu.region"() ({
      %run_scoped3A = tpu.sem_alloc : memref<!tpu.dma_semaphore, #tpu.memory_space<semaphore_mem>>
      %dma_start3A_74 = arith.constant 0 : i32
      %dma_start3A_75 = tpu.memref_slice %arg7[%mul3A_2, %dma_start3A_74] : memref<10240x128xf32, #tpu.memory_space<vmem_shared>> -> memref<640x128xf32, #tpu.memory_space<vmem_shared>>
      tpu.enqueue_dma source(%arg5 : memref<640x128xf32, #tpu.memory_space<hbm>>) target(%dma_start3A_75 : memref<640x128xf32, #tpu.memory_space<vmem_shared>>) target_semaphore(%run_scoped3A : memref<!tpu.dma_semaphore, #tpu.memory_space<semaphore_mem>>)
      %dma_wait3A_76 = arith.constant 0 : i32
      %dma_wait3A_77 = tpu.memref_slice %arg7[%mul3A_2, %dma_wait3A_76] : memref<10240x128xf32, #tpu.memory_space<vmem_shared>> -> memref<640x128xf32, #tpu.memory_space<vmem_shared>>
      tpu.wait_dma2 semaphore(%run_scoped3A : memref<!tpu.dma_semaphore, #tpu.memory_space<semaphore_mem>>) src(%arg5 : memref<640x128xf32, #tpu.memory_space<hbm>>) dst(%dma_wait3A_77 : memref<640x128xf32, #tpu.memory_space<vmem_shared>>)
      tpu.yield
    }) : () -> ()
    %dma_start3A = arith.constant 0 : i32
    %dma_start3A_3 = arith.constant 0 : i32
    %dma_start3A_4 = arith.constant 0 : i32
    %dma_start3A_5 = tpu.memref_slice %arg9[%dma_start3A_3, %dma_start3A_4] : memref<4x128xi32, #tpu.memory_space<vmem>> -> memref<1x128xi32, #tpu.memory_space<vmem>>
    %dma_start3A_6 = tpu.memref_squeeze %dma_start3A_5 : memref<1x128xi32, #tpu.memory_space<vmem>> -> memref<128xi32, #tpu.memory_space<vmem>>
    %dma_start3A_7 = arith.constant 0 : i32
    %dma_start3A_8 = tpu.memref_slice %arg4[%add3A, %dma_start3A, %dma_start3A_7] : memref<32x79x128xi32, #tpu.memory_space<hbm>> -> memref<1x1x128xi32, #tpu.memory_space<hbm>>
    %dma_start3A_9 = tpu.memref_squeeze %dma_start3A_8 : memref<1x1x128xi32, #tpu.memory_space<hbm>> -> memref<128xi32, #tpu.memory_space<hbm>>
    %dma_start3A_10 = arith.constant 0 : i32
    %dma_start3A_11 = tpu.memref_slice %arg9[%dma_start3A_3, %dma_start3A_10] : memref<4x128xi32, #tpu.memory_space<vmem>> -> memref<1x128xi32, #tpu.memory_space<vmem>>
    %dma_start3A_12 = tpu.memref_squeeze %dma_start3A_11 : memref<1x128xi32, #tpu.memory_space<vmem>> -> memref<128xi32, #tpu.memory_space<vmem>>
    %dma_start3A_13 = arith.constant 0 : i32
    %dma_start3A_14 = tpu.memref_slice %arg4[%add3A, %dma_start3A, %dma_start3A_13] : memref<32x79x128xi32, #tpu.memory_space<hbm>> -> memref<1x1x128xi32, #tpu.memory_space<hbm>>
    %dma_start3A_15 = tpu.memref_squeeze %dma_start3A_14 : memref<1x1x128xi32, #tpu.memory_space<hbm>> -> memref<128xi32, #tpu.memory_space<hbm>>
    tpu.enqueue_dma source(%dma_start3A_15 : memref<128xi32, #tpu.memory_space<hbm>>) target(%dma_start3A_12 : memref<128xi32, #tpu.memory_space<vmem>>) target_semaphore(%arg15 : memref<!tpu.dma_semaphore, #tpu.memory_space<semaphore_mem>>)
    %dma_start3A_16 = arith.constant 1 : i32
    %dma_start3A_17 = arith.constant 1 : i32
    %dma_start3A_18 = arith.constant 0 : i32
    %dma_start3A_19 = tpu.memref_slice %arg9[%dma_start3A_17, %dma_start3A_18] : memref<4x128xi32, #tpu.memory_space<vmem>> -> memref<1x128xi32, #tpu.memory_space<vmem>>
    %dma_start3A_20 = tpu.memref_squeeze %dma_start3A_19 : memref<1x128xi32, #tpu.memory_space<vmem>> -> memref<128xi32, #tpu.memory_space<vmem>>
    %dma_start3A_21 = arith.constant 0 : i32
    %dma_start3A_22 = tpu.memref_slice %arg4[%add3A, %dma_start3A_16, %dma_start3A_21] : memref<32x79x128xi32, #tpu.memory_space<hbm>> -> memref<1x1x128xi32, #tpu.memory_space<hbm>>
    %dma_start3A_23 = tpu.memref_squeeze %dma_start3A_22 : memref<1x1x128xi32, #tpu.memory_space<hbm>> -> memref<128xi32, #tpu.memory_space<hbm>>
    %dma_start3A_24 = arith.constant 0 : i32
    %dma_start3A_25 = tpu.memref_slice %arg9[%dma_start3A_17, %dma_start3A_24] : memref<4x128xi32, #tpu.memory_space<vmem>> -> memref<1x128xi32, #tpu.memory_space<vmem>>
    %dma_start3A_26 = tpu.memref_squeeze %dma_start3A_25 : memref<1x128xi32, #tpu.memory_space<vmem>> -> memref<128xi32, #tpu.memory_space<vmem>>
    %dma_start3A_27 = arith.constant 0 : i32
    %dma_start3A_28 = tpu.memref_slice %arg4[%add3A, %dma_start3A_16, %dma_start3A_27] : memref<32x79x128xi32, #tpu.memory_space<hbm>> -> memref<1x1x128xi32, #tpu.memory_space<hbm>>
    %dma_start3A_29 = tpu.memref_squeeze %dma_start3A_28 : memref<1x1x128xi32, #tpu.memory_space<hbm>> -> memref<128xi32, #tpu.memory_space<hbm>>
    tpu.enqueue_dma source(%dma_start3A_29 : memref<128xi32, #tpu.memory_space<hbm>>) target(%dma_start3A_26 : memref<128xi32, #tpu.memory_space<vmem>>) target_semaphore(%arg16 : memref<!tpu.dma_semaphore, #tpu.memory_space<semaphore_mem>>)
    %barrier3A = arith.constant 0 : index
    tpu.barrier barrier_id(%barrier3A)
    %dma_start3A_30 = arith.constant 0 : i32
    %dma_start3A_31 = arith.constant 0 : i32
    %dma_start3A_32 = arith.constant 0 : i32
    %dma_start3A_33 = arith.constant 0 : i32
    %dma_start3A_34 = tpu.memref_slice %arg10[%dma_start3A_31, %dma_start3A_32, %dma_start3A_33] : memref<2x128x128xf32, #tpu.memory_space<vmem>> -> memref<1x128x128xf32, #tpu.memory_space<vmem>>
    %dma_start3A_35 = tpu.memref_squeeze %dma_start3A_34 : memref<1x128x128xf32, #tpu.memory_space<vmem>> -> memref<128x128xf32, #tpu.memory_space<vmem>>
    %dma_start3A_36 = arith.constant 0 : i32
    %dma_start3A_37 = tpu.memref_slice %arg8[%dma_start3A_30, %dma_start3A_36] : memref<79x128xi32, #tpu.memory_space<vmem>> -> memref<1x128xi32, #tpu.memory_space<vmem>>
    %dma_start3A_38 = tpu.memref_squeeze %dma_start3A_37 : memref<1x128xi32, #tpu.memory_space<vmem>> -> memref<128xi32, #tpu.memory_space<vmem>>
    %dma_start3A_39 = arith.constant 0 : i32
    %dma_start3A_40 = arith.constant 0 : i32
    %dma_start3A_41 = tpu.memref_slice %arg2[%dma_start3A_39, %dma_start3A_40] : memref<10000x128xf32, #tpu.memory_space<hbm>> -> memref<10000x128xf32, #tpu.memory_space<hbm>>
    tpu.enqueue_indirect_dma source(%dma_start3A_41 : memref<10000x128xf32, #tpu.memory_space<hbm>>) target(%dma_start3A_35 : memref<128x128xf32, #tpu.memory_space<vmem>>) offsets(%dma_start3A_38 : memref<128xi32, #tpu.memory_space<vmem>>) semaphore(%arg11 : memref<!tpu.dma_semaphore, #tpu.memory_space<semaphore_mem>>)
    %scan3A = arith.constant 0 : i32
    %scan3A_42 = arith.constant 20 : i32
    %scan3A_43 = arith.addi %scan3A, %scan3A_42 : i32
    %scan3A_44 = arith.constant 1 : i32
    scf.for %scan3A_74 = %scan3A to %scan3A_43 step %scan3A_44  : i32 {
      %mul3A_75 = arith.constant 4 : i32
      %mul3A_76 = arith.muli %scan3A_74, %mul3A_75 : i32
      %add3A_77 = arith.constant 0 : i32
      %add3A_78 = arith.addi %add3A_77, %mul3A_76 : i32
      %add3A_79 = arith.constant 0 : i32
      %add3A_80 = arith.addi %add3A_78, %add3A_79 : i32
      %lt3A = arith.constant 79 : i32
      %lt3A_81 = arith.cmpi slt, %add3A_80, %lt3A : i32
      %convert_element_type3A = arith.extui %lt3A_81 : i1 to i32
      %cond3A = arith.constant 0 : i32
      %cond3A_82 = arith.cmpi ne, %convert_element_type3A, %cond3A : i32
      scf.if %cond3A_82 {
        %add3A_104 = arith.constant 1 : i32
        %add3A_105 = arith.addi %add3A_80, %add3A_104 : i32
        %lt3A_106 = arith.constant 79 : i32
        %lt3A_107 = arith.cmpi slt, %add3A_105, %lt3A_106 : i32
        %convert_element_type3A_108 = arith.extui %lt3A_107 : i1 to i32
        %cond3A_109 = arith.constant 0 : i32
        %cond3A_110 = arith.cmpi ne, %convert_element_type3A_108, %cond3A_109 : i32
        scf.if %cond3A_110 {
          %ge3A = arith.constant 1 : i32
          %ge3A_156 = arith.cmpi sge, %add3A_80, %ge3A : i32
          %convert_element_type3A_157 = arith.extui %ge3A_156 : i1 to i32
          %cond3A_158 = arith.constant 0 : i32
          %cond3A_159 = arith.cmpi ne, %convert_element_type3A_157, %cond3A_158 : i32
          scf.if %cond3A_159 {
            %dma_wait3A_173 = arith.constant 1 : i32
            %dma_wait3A_174 = arith.constant 0 : i32
            %dma_wait3A_175 = arith.constant 0 : i32
            %dma_wait3A_176 = arith.constant 0 : i32
            %dma_wait3A_177 = tpu.memref_slice %arg10[%dma_wait3A_173, %dma_wait3A_175, %dma_wait3A_176] : memref<2x128x128xf32, #tpu.memory_space<vmem>> -> memref<1x128x128xf32, #tpu.memory_space<vmem>>
            %dma_wait3A_178 = tpu.memref_squeeze %dma_wait3A_177 : memref<1x128x128xf32, #tpu.memory_space<vmem>> -> memref<128x128xf32, #tpu.memory_space<vmem>>
            %dma_wait3A_179 = arith.constant 0 : i32
            %dma_wait3A_180 = tpu.memref_slice %arg9[%dma_wait3A_174, %dma_wait3A_179] : memref<4x128xi32, #tpu.memory_space<vmem>> -> memref<1x128xi32, #tpu.memory_space<vmem>>
            %dma_wait3A_181 = tpu.memref_squeeze %dma_wait3A_180 : memref<1x128xi32, #tpu.memory_space<vmem>> -> memref<128xi32, #tpu.memory_space<vmem>>
            %dma_wait3A_182 = arith.constant 0 : i32
            %dma_wait3A_183 = arith.constant 0 : i32
            %dma_wait3A_184 = tpu.memref_slice %arg7[%dma_wait3A_182, %dma_wait3A_183] : memref<10240x128xf32, #tpu.memory_space<vmem_shared>> -> memref<10240x128xf32, #tpu.memory_space<vmem_shared>>
            tpu.wait_indirect_dma semaphore(%arg14 : memref<!tpu.dma_semaphore, #tpu.memory_space<semaphore_mem>>) src(%dma_wait3A_178 : memref<128x128xf32, #tpu.memory_space<vmem>>) dst(%dma_wait3A_184 : memref<10240x128xf32, #tpu.memory_space<vmem_shared>>)
          } else {
          }
          %add3A_160 = arith.constant 1 : i32
          %add3A_161 = arith.addi %add3A_80, %add3A_160 : i32
          %dma_start3A_162 = arith.constant 1 : i32
          %dma_start3A_163 = arith.constant 0 : i32
          %dma_start3A_164 = arith.constant 0 : i32
          %dma_start3A_165 = tpu.memref_slice %arg10[%dma_start3A_162, %dma_start3A_163, %dma_start3A_164] : memref<2x128x128xf32, #tpu.memory_space<vmem>> -> memref<1x128x128xf32, #tpu.memory_space<vmem>>
          %dma_start3A_166 = tpu.memref_squeeze %dma_start3A_165 : memref<1x128x128xf32, #tpu.memory_space<vmem>> -> memref<128x128xf32, #tpu.memory_space<vmem>>
          %dma_start3A_167 = arith.constant 0 : i32
          %dma_start3A_168 = tpu.memref_slice %arg8[%add3A_161, %dma_start3A_167] : memref<79x128xi32, #tpu.memory_space<vmem>> -> memref<1x128xi32, #tpu.memory_space<vmem>>
          %dma_start3A_169 = tpu.memref_squeeze %dma_start3A_168 : memref<1x128xi32, #tpu.memory_space<vmem>> -> memref<128xi32, #tpu.memory_space<vmem>>
          %dma_start3A_170 = arith.constant 0 : i32
          %dma_start3A_171 = arith.constant 0 : i32
          %dma_start3A_172 = tpu.memref_slice %arg2[%dma_start3A_170, %dma_start3A_171] : memref<10000x128xf32, #tpu.memory_space<hbm>> -> memref<10000x128xf32, #tpu.memory_space<hbm>>
          tpu.enqueue_indirect_dma source(%dma_start3A_172 : memref<10000x128xf32, #tpu.memory_space<hbm>>) target(%dma_start3A_166 : memref<128x128xf32, #tpu.memory_space<vmem>>) offsets(%dma_start3A_169 : memref<128xi32, #tpu.memory_space<vmem>>) semaphore(%arg12 : memref<!tpu.dma_semaphore, #tpu.memory_space<semaphore_mem>>)
        } else {
        }
        %dma_wait3A_111 = arith.constant 0 : i32
        %dma_wait3A_112 = arith.constant 0 : i32
        %dma_wait3A_113 = arith.constant 0 : i32
        %dma_wait3A_114 = tpu.memref_slice %arg9[%dma_wait3A_112, %dma_wait3A_113] : memref<4x128xi32, #tpu.memory_space<vmem>> -> memref<1x128xi32, #tpu.memory_space<vmem>>
        %dma_wait3A_115 = tpu.memref_squeeze %dma_wait3A_114 : memref<1x128xi32, #tpu.memory_space<vmem>> -> memref<128xi32, #tpu.memory_space<vmem>>
        %dma_wait3A_116 = arith.constant 0 : i32
        %dma_wait3A_117 = tpu.memref_slice %arg4[%add3A, %dma_wait3A_111, %dma_wait3A_116] : memref<32x79x128xi32, #tpu.memory_space<hbm>> -> memref<1x1x128xi32, #tpu.memory_space<hbm>>
        %dma_wait3A_118 = tpu.memref_squeeze %dma_wait3A_117 : memref<1x1x128xi32, #tpu.memory_space<hbm>> -> memref<128xi32, #tpu.memory_space<hbm>>
        %dma_wait3A_119 = arith.constant 0 : i32
        %dma_wait3A_120 = tpu.memref_slice %arg9[%dma_wait3A_112, %dma_wait3A_119] : memref<4x128xi32, #tpu.memory_space<vmem>> -> memref<1x128xi32, #tpu.memory_space<vmem>>
        %dma_wait3A_121 = tpu.memref_squeeze %dma_wait3A_120 : memref<1x128xi32, #tpu.memory_space<vmem>> -> memref<128xi32, #tpu.memory_space<vmem>>
        %dma_wait3A_122 = arith.constant 0 : i32
        %dma_wait3A_123 = tpu.memref_slice %arg4[%add3A, %dma_wait3A_111, %dma_wait3A_122] : memref<32x79x128xi32, #tpu.memory_space<hbm>> -> memref<1x1x128xi32, #tpu.memory_space<hbm>>
        %dma_wait3A_124 = tpu.memref_squeeze %dma_wait3A_123 : memref<1x1x128xi32, #tpu.memory_space<hbm>> -> memref<128xi32, #tpu.memory_space<hbm>>
        tpu.wait_dma2 semaphore(%arg15 : memref<!tpu.dma_semaphore, #tpu.memory_space<semaphore_mem>>) src(%dma_wait3A_124 : memref<128xi32, #tpu.memory_space<hbm>>) dst(%dma_wait3A_121 : memref<128xi32, #tpu.memory_space<vmem>>)
        %dma_wait3A_125 = arith.constant 0 : i32
        %dma_wait3A_126 = arith.constant 0 : i32
        %dma_wait3A_127 = arith.constant 0 : i32
        %dma_wait3A_128 = arith.constant 0 : i32
        %dma_wait3A_129 = tpu.memref_slice %arg10[%dma_wait3A_126, %dma_wait3A_127, %dma_wait3A_128] : memref<2x128x128xf32, #tpu.memory_space<vmem>> -> memref<1x128x128xf32, #tpu.memory_space<vmem>>
        %dma_wait3A_130 = tpu.memref_squeeze %dma_wait3A_129 : memref<1x128x128xf32, #tpu.memory_space<vmem>> -> memref<128x128xf32, #tpu.memory_space<vmem>>
        %dma_wait3A_131 = arith.constant 0 : i32
        %dma_wait3A_132 = tpu.memref_slice %arg8[%dma_wait3A_125, %dma_wait3A_131] : memref<79x128xi32, #tpu.memory_space<vmem>> -> memref<1x128xi32, #tpu.memory_space<vmem>>
        %dma_wait3A_133 = tpu.memref_squeeze %dma_wait3A_132 : memref<1x128xi32, #tpu.memory_space<vmem>> -> memref<128xi32, #tpu.memory_space<vmem>>
        %dma_wait3A_134 = arith.constant 0 : i32
        %dma_wait3A_135 = arith.constant 0 : i32
        %dma_wait3A_136 = tpu.memref_slice %arg2[%dma_wait3A_134, %dma_wait3A_135] : memref<10000x128xf32, #tpu.memory_space<hbm>> -> memref<10000x128xf32, #tpu.memory_space<hbm>>
        tpu.wait_indirect_dma semaphore(%arg11 : memref<!tpu.dma_semaphore, #tpu.memory_space<semaphore_mem>>) src(%dma_wait3A_136 : memref<10000x128xf32, #tpu.memory_space<hbm>>) dst(%dma_wait3A_130 : memref<128x128xf32, #tpu.memory_space<vmem>>)
        %dma_start3A_137 = arith.constant 0 : i32
        %dma_start3A_138 = arith.constant 0 : i32
        %dma_start3A_139 = arith.constant 0 : i32
        %dma_start3A_140 = arith.constant 0 : i32
        %dma_start3A_141 = tpu.memref_slice %arg10[%dma_start3A_137, %dma_start3A_139, %dma_start3A_140] : memref<2x128x128xf32, #tpu.memory_space<vmem>> -> memref<1x128x128xf32, #tpu.memory_space<vmem>>
        %dma_start3A_142 = tpu.memref_squeeze %dma_start3A_141 : memref<1x128x128xf32, #tpu.memory_space<vmem>> -> memref<128x128xf32, #tpu.memory_space<vmem>>
        %dma_start3A_143 = arith.constant 0 : i32
        %dma_start3A_144 = tpu.memref_slice %arg9[%dma_start3A_138, %dma_start3A_143] : memref<4x128xi32, #tpu.memory_space<vmem>> -> memref<1x128xi32, #tpu.memory_space<vmem>>
        %dma_start3A_145 = tpu.memref_squeeze %dma_start3A_144 : memref<1x128xi32, #tpu.memory_space<vmem>> -> memref<128xi32, #tpu.memory_space<vmem>>
        %dma_start3A_146 = arith.constant 0 : i32
        %dma_start3A_147 = arith.constant 0 : i32
        %dma_start3A_148 = tpu.memref_slice %arg7[%dma_start3A_146, %dma_start3A_147] : memref<10240x128xf32, #tpu.memory_space<vmem_shared>> -> memref<10240x128xf32, #tpu.memory_space<vmem_shared>>
        tpu.enqueue_indirect_dma source(%dma_start3A_142 : memref<128x128xf32, #tpu.memory_space<vmem>>) target(%dma_start3A_148 : memref<10240x128xf32, #tpu.memory_space<vmem_shared>>) offsets(%dma_start3A_145 : memref<128xi32, #tpu.memory_space<vmem>>) semaphore(%arg13 : memref<!tpu.dma_semaphore, #tpu.memory_space<semaphore_mem>>) {add = true}
        %add3A_149 = arith.constant 2 : i32
        %add3A_150 = arith.addi %add3A_80, %add3A_149 : i32
        %lt3A_151 = arith.constant 79 : i32
        %lt3A_152 = arith.cmpi slt, %add3A_150, %lt3A_151 : i32
        %convert_element_type3A_153 = arith.extui %lt3A_152 : i1 to i32
        %cond3A_154 = arith.constant 0 : i32
        %cond3A_155 = arith.cmpi ne, %convert_element_type3A_153, %cond3A_154 : i32
        scf.if %cond3A_155 {
          %add3A_156 = arith.constant 2 : i32
          %add3A_157 = arith.addi %add3A_80, %add3A_156 : i32
          %dma_start3A_158 = arith.constant 2 : i32
          %dma_start3A_159 = arith.constant 0 : i32
          %dma_start3A_160 = tpu.memref_slice %arg9[%dma_start3A_158, %dma_start3A_159] : memref<4x128xi32, #tpu.memory_space<vmem>> -> memref<1x128xi32, #tpu.memory_space<vmem>>
          %dma_start3A_161 = tpu.memref_squeeze %dma_start3A_160 : memref<1x128xi32, #tpu.memory_space<vmem>> -> memref<128xi32, #tpu.memory_space<vmem>>
          %dma_start3A_162 = arith.constant 0 : i32
          %dma_start3A_163 = tpu.memref_slice %arg4[%add3A, %add3A_157, %dma_start3A_162] : memref<32x79x128xi32, #tpu.memory_space<hbm>> -> memref<1x1x128xi32, #tpu.memory_space<hbm>>
          %dma_start3A_164 = tpu.memref_squeeze %dma_start3A_163 : memref<1x1x128xi32, #tpu.memory_space<hbm>> -> memref<128xi32, #tpu.memory_space<hbm>>
          %dma_start3A_165 = arith.constant 0 : i32
          %dma_start3A_166 = tpu.memref_slice %arg9[%dma_start3A_158, %dma_start3A_165] : memref<4x128xi32, #tpu.memory_space<vmem>> -> memref<1x128xi32, #tpu.memory_space<vmem>>
          %dma_start3A_167 = tpu.memref_squeeze %dma_start3A_166 : memref<1x128xi32, #tpu.memory_space<vmem>> -> memref<128xi32, #tpu.memory_space<vmem>>
          %dma_start3A_168 = arith.constant 0 : i32
          %dma_start3A_169 = tpu.memref_slice %arg4[%add3A, %add3A_157, %dma_start3A_168] : memref<32x79x128xi32, #tpu.memory_space<hbm>> -> memref<1x1x128xi32, #tpu.memory_space<hbm>>
          %dma_start3A_170 = tpu.memref_squeeze %dma_start3A_169 : memref<1x1x128xi32, #tpu.memory_space<hbm>> -> memref<128xi32, #tpu.memory_space<hbm>>
          tpu.enqueue_dma source(%dma_start3A_170 : memref<128xi32, #tpu.memory_space<hbm>>) target(%dma_start3A_167 : memref<128xi32, #tpu.memory_space<vmem>>) target_semaphore(%arg17 : memref<!tpu.dma_semaphore, #tpu.memory_space<semaphore_mem>>)
        } else {
        }
      } else {
      }
      %add3A_83 = arith.constant 1 : i32
      %add3A_84 = arith.addi %add3A_78, %add3A_83 : i32
      %lt3A_85 = arith.constant 79 : i32
      %lt3A_86 = arith.cmpi slt, %add3A_84, %lt3A_85 : i32
      %convert_element_type3A_87 = arith.extui %lt3A_86 : i1 to i32
      %cond3A_88 = arith.constant 0 : i32
      %cond3A_89 = arith.cmpi ne, %convert_element_type3A_87, %cond3A_88 : i32
      scf.if %cond3A_89 {
        %add3A_104 = arith.constant 1 : i32
        %add3A_105 = arith.addi %add3A_84, %add3A_104 : i32
        %lt3A_106 = arith.constant 79 : i32
        %lt3A_107 = arith.cmpi slt, %add3A_105, %lt3A_106 : i32
        %convert_element_type3A_108 = arith.extui %lt3A_107 : i1 to i32
        %cond3A_109 = arith.constant 0 : i32
        %cond3A_110 = arith.cmpi ne, %convert_element_type3A_108, %cond3A_109 : i32
        scf.if %cond3A_110 {
          %ge3A = arith.constant 1 : i32
          %ge3A_156 = arith.cmpi sge, %add3A_84, %ge3A : i32
          %convert_element_type3A_157 = arith.extui %ge3A_156 : i1 to i32
          %cond3A_158 = arith.constant 0 : i32
          %cond3A_159 = arith.cmpi ne, %convert_element_type3A_157, %cond3A_158 : i32
          scf.if %cond3A_159 {
            %dma_wait3A_173 = arith.constant 0 : i32
            %dma_wait3A_174 = arith.constant 0 : i32
            %dma_wait3A_175 = arith.constant 0 : i32
            %dma_wait3A_176 = arith.constant 0 : i32
            %dma_wait3A_177 = tpu.memref_slice %arg10[%dma_wait3A_173, %dma_wait3A_175, %dma_wait3A_176] : memref<2x128x128xf32, #tpu.memory_space<vmem>> -> memref<1x128x128xf32, #tpu.memory_space<vmem>>
            %dma_wait3A_178 = tpu.memref_squeeze %dma_wait3A_177 : memref<1x128x128xf32, #tpu.memory_space<vmem>> -> memref<128x128xf32, #tpu.memory_space<vmem>>
            %dma_wait3A_179 = arith.constant 0 : i32
            %dma_wait3A_180 = tpu.memref_slice %arg9[%dma_wait3A_174, %dma_wait3A_179] : memref<4x128xi32, #tpu.memory_space<vmem>> -> memref<1x128xi32, #tpu.memory_space<vmem>>
            %dma_wait3A_181 = tpu.memref_squeeze %dma_wait3A_180 : memref<1x128xi32, #tpu.memory_space<vmem>> -> memref<128xi32, #tpu.memory_space<vmem>>
            %dma_wait3A_182 = arith.constant 0 : i32
            %dma_wait3A_183 = arith.constant 0 : i32
            %dma_wait3A_184 = tpu.memref_slice %arg7[%dma_wait3A_182, %dma_wait3A_183] : memref<10240x128xf32, #tpu.memory_space<vmem_shared>> -> memref<10240x128xf32, #tpu.memory_space<vmem_shared>>
            tpu.wait_indirect_dma semaphore(%arg13 : memref<!tpu.dma_semaphore, #tpu.memory_space<semaphore_mem>>) src(%dma_wait3A_178 : memref<128x128xf32, #tpu.memory_space<vmem>>) dst(%dma_wait3A_184 : memref<10240x128xf32, #tpu.memory_space<vmem_shared>>)
          } else {
          }
          %add3A_160 = arith.constant 1 : i32
          %add3A_161 = arith.addi %add3A_84, %add3A_160 : i32
          %dma_start3A_162 = arith.constant 0 : i32
          %dma_start3A_163 = arith.constant 0 : i32
          %dma_start3A_164 = arith.constant 0 : i32
          %dma_start3A_165 = tpu.memref_slice %arg10[%dma_start3A_162, %dma_start3A_163, %dma_start3A_164] : memref<2x128x128xf32, #tpu.memory_space<vmem>> -> memref<1x128x128xf32, #tpu.memory_space<vmem>>
          %dma_start3A_166 = tpu.memref_squeeze %dma_start3A_165 : memref<1x128x128xf32, #tpu.memory_space<vmem>> -> memref<128x128xf32, #tpu.memory_space<vmem>>
          %dma_start3A_167 = arith.constant 0 : i32
          %dma_start3A_168 = tpu.memref_slice %arg8[%add3A_161, %dma_start3A_167] : memref<79x128xi32, #tpu.memory_space<vmem>> -> memref<1x128xi32, #tpu.memory_space<vmem>>
          %dma_start3A_169 = tpu.memref_squeeze %dma_start3A_168 : memref<1x128xi32, #tpu.memory_space<vmem>> -> memref<128xi32, #tpu.memory_space<vmem>>
          %dma_start3A_170 = arith.constant 0 : i32
          %dma_start3A_171 = arith.constant 0 : i32
          %dma_start3A_172 = tpu.memref_slice %arg2[%dma_start3A_170, %dma_start3A_171] : memref<10000x128xf32, #tpu.memory_space<hbm>> -> memref<10000x128xf32, #tpu.memory_space<hbm>>
          tpu.enqueue_indirect_dma source(%dma_start3A_172 : memref<10000x128xf32, #tpu.memory_space<hbm>>) target(%dma_start3A_166 : memref<128x128xf32, #tpu.memory_space<vmem>>) offsets(%dma_start3A_169 : memref<128xi32, #tpu.memory_space<vmem>>) semaphore(%arg11 : memref<!tpu.dma_semaphore, #tpu.memory_space<semaphore_mem>>)
        } else {
        }
        %dma_wait3A_111 = arith.constant 0 : i32
        %dma_wait3A_112 = arith.constant 1 : i32
        %dma_wait3A_113 = arith.constant 0 : i32
        %dma_wait3A_114 = tpu.memref_slice %arg9[%dma_wait3A_112, %dma_wait3A_113] : memref<4x128xi32, #tpu.memory_space<vmem>> -> memref<1x128xi32, #tpu.memory_space<vmem>>
        %dma_wait3A_115 = tpu.memref_squeeze %dma_wait3A_114 : memref<1x128xi32, #tpu.memory_space<vmem>> -> memref<128xi32, #tpu.memory_space<vmem>>
        %dma_wait3A_116 = arith.constant 0 : i32
        %dma_wait3A_117 = tpu.memref_slice %arg4[%add3A, %dma_wait3A_111, %dma_wait3A_116] : memref<32x79x128xi32, #tpu.memory_space<hbm>> -> memref<1x1x128xi32, #tpu.memory_space<hbm>>
        %dma_wait3A_118 = tpu.memref_squeeze %dma_wait3A_117 : memref<1x1x128xi32, #tpu.memory_space<hbm>> -> memref<128xi32, #tpu.memory_space<hbm>>
        %dma_wait3A_119 = arith.constant 0 : i32
        %dma_wait3A_120 = tpu.memref_slice %arg9[%dma_wait3A_112, %dma_wait3A_119] : memref<4x128xi32, #tpu.memory_space<vmem>> -> memref<1x128xi32, #tpu.memory_space<vmem>>
        %dma_wait3A_121 = tpu.memref_squeeze %dma_wait3A_120 : memref<1x128xi32, #tpu.memory_space<vmem>> -> memref<128xi32, #tpu.memory_space<vmem>>
        %dma_wait3A_122 = arith.constant 0 : i32
        %dma_wait3A_123 = tpu.memref_slice %arg4[%add3A, %dma_wait3A_111, %dma_wait3A_122] : memref<32x79x128xi32, #tpu.memory_space<hbm>> -> memref<1x1x128xi32, #tpu.memory_space<hbm>>
        %dma_wait3A_124 = tpu.memref_squeeze %dma_wait3A_123 : memref<1x1x128xi32, #tpu.memory_space<hbm>> -> memref<128xi32, #tpu.memory_space<hbm>>
        tpu.wait_dma2 semaphore(%arg16 : memref<!tpu.dma_semaphore, #tpu.memory_space<semaphore_mem>>) src(%dma_wait3A_124 : memref<128xi32, #tpu.memory_space<hbm>>) dst(%dma_wait3A_121 : memref<128xi32, #tpu.memory_space<vmem>>)
        %dma_wait3A_125 = arith.constant 0 : i32
        %dma_wait3A_126 = arith.constant 1 : i32
        %dma_wait3A_127 = arith.constant 0 : i32
        %dma_wait3A_128 = arith.constant 0 : i32
        %dma_wait3A_129 = tpu.memref_slice %arg10[%dma_wait3A_126, %dma_wait3A_127, %dma_wait3A_128] : memref<2x128x128xf32, #tpu.memory_space<vmem>> -> memref<1x128x128xf32, #tpu.memory_space<vmem>>
        %dma_wait3A_130 = tpu.memref_squeeze %dma_wait3A_129 : memref<1x128x128xf32, #tpu.memory_space<vmem>> -> memref<128x128xf32, #tpu.memory_space<vmem>>
        %dma_wait3A_131 = arith.constant 0 : i32
        %dma_wait3A_132 = tpu.memref_slice %arg8[%dma_wait3A_125, %dma_wait3A_131] : memref<79x128xi32, #tpu.memory_space<vmem>> -> memref<1x128xi32, #tpu.memory_space<vmem>>
        %dma_wait3A_133 = tpu.memref_squeeze %dma_wait3A_132 : memref<1x128xi32, #tpu.memory_space<vmem>> -> memref<128xi32, #tpu.memory_space<vmem>>
        %dma_wait3A_134 = arith.constant 0 : i32
        %dma_wait3A_135 = arith.constant 0 : i32
        %dma_wait3A_136 = tpu.memref_slice %arg2[%dma_wait3A_134, %dma_wait3A_135] : memref<10000x128xf32, #tpu.memory_space<hbm>> -> memref<10000x128xf32, #tpu.memory_space<hbm>>
        tpu.wait_indirect_dma semaphore(%arg12 : memref<!tpu.dma_semaphore, #tpu.memory_space<semaphore_mem>>) src(%dma_wait3A_136 : memref<10000x128xf32, #tpu.memory_space<hbm>>) dst(%dma_wait3A_130 : memref<128x128xf32, #tpu.memory_space<vmem>>)
        %dma_start3A_137 = arith.constant 1 : i32
        %dma_start3A_138 = arith.constant 1 : i32
        %dma_start3A_139 = arith.constant 0 : i32
        %dma_start3A_140 = arith.constant 0 : i32
        %dma_start3A_141 = tpu.memref_slice %arg10[%dma_start3A_137, %dma_start3A_139, %dma_start3A_140] : memref<2x128x128xf32, #tpu.memory_space<vmem>> -> memref<1x128x128xf32, #tpu.memory_space<vmem>>
        %dma_start3A_142 = tpu.memref_squeeze %dma_start3A_141 : memref<1x128x128xf32, #tpu.memory_space<vmem>> -> memref<128x128xf32, #tpu.memory_space<vmem>>
        %dma_start3A_143 = arith.constant 0 : i32
        %dma_start3A_144 = tpu.memref_slice %arg9[%dma_start3A_138, %dma_start3A_143] : memref<4x128xi32, #tpu.memory_space<vmem>> -> memref<1x128xi32, #tpu.memory_space<vmem>>
        %dma_start3A_145 = tpu.memref_squeeze %dma_start3A_144 : memref<1x128xi32, #tpu.memory_space<vmem>> -> memref<128xi32, #tpu.memory_space<vmem>>
        %dma_start3A_146 = arith.constant 0 : i32
        %dma_start3A_147 = arith.constant 0 : i32
        %dma_start3A_148 = tpu.memref_slice %arg7[%dma_start3A_146, %dma_start3A_147] : memref<10240x128xf32, #tpu.memory_space<vmem_shared>> -> memref<10240x128xf32, #tpu.memory_space<vmem_shared>>
        tpu.enqueue_indirect_dma source(%dma_start3A_142 : memref<128x128xf32, #tpu.memory_space<vmem>>) target(%dma_start3A_148 : memref<10240x128xf32, #tpu.memory_space<vmem_shared>>) offsets(%dma_start3A_145 : memref<128xi32, #tpu.memory_space<vmem>>) semaphore(%arg14 : memref<!tpu.dma_semaphore, #tpu.memory_space<semaphore_mem>>) {add = true}
        %add3A_149 = arith.constant 2 : i32
        %add3A_150 = arith.addi %add3A_84, %add3A_149 : i32
        %lt3A_151 = arith.constant 79 : i32
        %lt3A_152 = arith.cmpi slt, %add3A_150, %lt3A_151 : i32
        %convert_element_type3A_153 = arith.extui %lt3A_152 : i1 to i32
        %cond3A_154 = arith.constant 0 : i32
        %cond3A_155 = arith.cmpi ne, %convert_element_type3A_153, %cond3A_154 : i32
        scf.if %cond3A_155 {
          %add3A_156 = arith.constant 2 : i32
          %add3A_157 = arith.addi %add3A_84, %add3A_156 : i32
          %dma_start3A_158 = arith.constant 3 : i32
          %dma_start3A_159 = arith.constant 0 : i32
          %dma_start3A_160 = tpu.memref_slice %arg9[%dma_start3A_158, %dma_start3A_159] : memref<4x128xi32, #tpu.memory_space<vmem>> -> memref<1x128xi32, #tpu.memory_space<vmem>>
          %dma_start3A_161 = tpu.memref_squeeze %dma_start3A_160 : memref<1x128xi32, #tpu.memory_space<vmem>> -> memref<128xi32, #tpu.memory_space<vmem>>
          %dma_start3A_162 = arith.constant 0 : i32
          %dma_start3A_163 = tpu.memref_slice %arg4[%add3A, %add3A_157, %dma_start3A_162] : memref<32x79x128xi32, #tpu.memory_space<hbm>> -> memref<1x1x128xi32, #tpu.memory_space<hbm>>
          %dma_start3A_164 = tpu.memref_squeeze %dma_start3A_163 : memref<1x1x128xi32, #tpu.memory_space<hbm>> -> memref<128xi32, #tpu.memory_space<hbm>>
          %dma_start3A_165 = arith.constant 0 : i32
          %dma_start3A_166 = tpu.memref_slice %arg9[%dma_start3A_158, %dma_start3A_165] : memref<4x128xi32, #tpu.memory_space<vmem>> -> memref<1x128xi32, #tpu.memory_space<vmem>>
          %dma_start3A_167 = tpu.memref_squeeze %dma_start3A_166 : memref<1x128xi32, #tpu.memory_space<vmem>> -> memref<128xi32, #tpu.memory_space<vmem>>
          %dma_start3A_168 = arith.constant 0 : i32
          %dma_start3A_169 = tpu.memref_slice %arg4[%add3A, %add3A_157, %dma_start3A_168] : memref<32x79x128xi32, #tpu.memory_space<hbm>> -> memref<1x1x128xi32, #tpu.memory_space<hbm>>
          %dma_start3A_170 = tpu.memref_squeeze %dma_start3A_169 : memref<1x1x128xi32, #tpu.memory_space<hbm>> -> memref<128xi32, #tpu.memory_space<hbm>>
          tpu.enqueue_dma source(%dma_start3A_170 : memref<128xi32, #tpu.memory_space<hbm>>) target(%dma_start3A_167 : memref<128xi32, #tpu.memory_space<vmem>>) target_semaphore(%arg18 : memref<!tpu.dma_semaphore, #tpu.memory_space<semaphore_mem>>)
        } else {
        }
      } else {
      }
      %add3A_90 = arith.constant 2 : i32
      %add3A_91 = arith.addi %add3A_78, %add3A_90 : i32
      %lt3A_92 = arith.constant 79 : i32
      %lt3A_93 = arith.cmpi slt, %add3A_91, %lt3A_92 : i32
      %convert_element_type3A_94 = arith.extui %lt3A_93 : i1 to i32
      %cond3A_95 = arith.constant 0 : i32
      %cond3A_96 = arith.cmpi ne, %convert_element_type3A_94, %cond3A_95 : i32
      scf.if %cond3A_96 {
        %add3A_104 = arith.constant 1 : i32
        %add3A_105 = arith.addi %add3A_91, %add3A_104 : i32
        %lt3A_106 = arith.constant 79 : i32
        %lt3A_107 = arith.cmpi slt, %add3A_105, %lt3A_106 : i32
        %convert_element_type3A_108 = arith.extui %lt3A_107 : i1 to i32
        %cond3A_109 = arith.constant 0 : i32
        %cond3A_110 = arith.cmpi ne, %convert_element_type3A_108, %cond3A_109 : i32
        scf.if %cond3A_110 {
          %ge3A = arith.constant 1 : i32
          %ge3A_156 = arith.cmpi sge, %add3A_91, %ge3A : i32
          %convert_element_type3A_157 = arith.extui %ge3A_156 : i1 to i32
          %cond3A_158 = arith.constant 0 : i32
          %cond3A_159 = arith.cmpi ne, %convert_element_type3A_157, %cond3A_158 : i32
          scf.if %cond3A_159 {
            %dma_wait3A_173 = arith.constant 1 : i32
            %dma_wait3A_174 = arith.constant 0 : i32
            %dma_wait3A_175 = arith.constant 0 : i32
            %dma_wait3A_176 = arith.constant 0 : i32
            %dma_wait3A_177 = tpu.memref_slice %arg10[%dma_wait3A_173, %dma_wait3A_175, %dma_wait3A_176] : memref<2x128x128xf32, #tpu.memory_space<vmem>> -> memref<1x128x128xf32, #tpu.memory_space<vmem>>
            %dma_wait3A_178 = tpu.memref_squeeze %dma_wait3A_177 : memref<1x128x128xf32, #tpu.memory_space<vmem>> -> memref<128x128xf32, #tpu.memory_space<vmem>>
            %dma_wait3A_179 = arith.constant 0 : i32
            %dma_wait3A_180 = tpu.memref_slice %arg9[%dma_wait3A_174, %dma_wait3A_179] : memref<4x128xi32, #tpu.memory_space<vmem>> -> memref<1x128xi32, #tpu.memory_space<vmem>>
            %dma_wait3A_181 = tpu.memref_squeeze %dma_wait3A_180 : memref<1x128xi32, #tpu.memory_space<vmem>> -> memref<128xi32, #tpu.memory_space<vmem>>
            %dma_wait3A_182 = arith.constant 0 : i32
            %dma_wait3A_183 = arith.constant 0 : i32
            %dma_wait3A_184 = tpu.memref_slice %arg7[%dma_wait3A_182, %dma_wait3A_183] : memref<10240x128xf32, #tpu.memory_space<vmem_shared>> -> memref<10240x128xf32, #tpu.memory_space<vmem_shared>>
            tpu.wait_indirect_dma semaphore(%arg14 : memref<!tpu.dma_semaphore, #tpu.memory_space<semaphore_mem>>) src(%dma_wait3A_178 : memref<128x128xf32, #tpu.memory_space<vmem>>) dst(%dma_wait3A_184 : memref<10240x128xf32, #tpu.memory_space<vmem_shared>>)
          } else {
          }
          %add3A_160 = arith.constant 1 : i32
          %add3A_161 = arith.addi %add3A_91, %add3A_160 : i32
          %dma_start3A_162 = arith.constant 1 : i32
          %dma_start3A_163 = arith.constant 0 : i32
          %dma_start3A_164 = arith.constant 0 : i32
          %dma_start3A_165 = tpu.memref_slice %arg10[%dma_start3A_162, %dma_start3A_163, %dma_start3A_164] : memref<2x128x128xf32, #tpu.memory_space<vmem>> -> memref<1x128x128xf32, #tpu.memory_space<vmem>>
          %dma_start3A_166 = tpu.memref_squeeze %dma_start3A_165 : memref<1x128x128xf32, #tpu.memory_space<vmem>> -> memref<128x128xf32, #tpu.memory_space<vmem>>
          %dma_start3A_167 = arith.constant 0 : i32
          %dma_start3A_168 = tpu.memref_slice %arg8[%add3A_161, %dma_start3A_167] : memref<79x128xi32, #tpu.memory_space<vmem>> -> memref<1x128xi32, #tpu.memory_space<vmem>>
          %dma_start3A_169 = tpu.memref_squeeze %dma_start3A_168 : memref<1x128xi32, #tpu.memory_space<vmem>> -> memref<128xi32, #tpu.memory_space<vmem>>
          %dma_start3A_170 = arith.constant 0 : i32
          %dma_start3A_171 = arith.constant 0 : i32
          %dma_start3A_172 = tpu.memref_slice %arg2[%dma_start3A_170, %dma_start3A_171] : memref<10000x128xf32, #tpu.memory_space<hbm>> -> memref<10000x128xf32, #tpu.memory_space<hbm>>
          tpu.enqueue_indirect_dma source(%dma_start3A_172 : memref<10000x128xf32, #tpu.memory_space<hbm>>) target(%dma_start3A_166 : memref<128x128xf32, #tpu.memory_space<vmem>>) offsets(%dma_start3A_169 : memref<128xi32, #tpu.memory_space<vmem>>) semaphore(%arg12 : memref<!tpu.dma_semaphore, #tpu.memory_space<semaphore_mem>>)
        } else {
        }
        %dma_wait3A_111 = arith.constant 0 : i32
        %dma_wait3A_112 = arith.constant 2 : i32
        %dma_wait3A_113 = arith.constant 0 : i32
        %dma_wait3A_114 = tpu.memref_slice %arg9[%dma_wait3A_112, %dma_wait3A_113] : memref<4x128xi32, #tpu.memory_space<vmem>> -> memref<1x128xi32, #tpu.memory_space<vmem>>
        %dma_wait3A_115 = tpu.memref_squeeze %dma_wait3A_114 : memref<1x128xi32, #tpu.memory_space<vmem>> -> memref<128xi32, #tpu.memory_space<vmem>>
        %dma_wait3A_116 = arith.constant 0 : i32
        %dma_wait3A_117 = tpu.memref_slice %arg4[%add3A, %dma_wait3A_111, %dma_wait3A_116] : memref<32x79x128xi32, #tpu.memory_space<hbm>> -> memref<1x1x128xi32, #tpu.memory_space<hbm>>
        %dma_wait3A_118 = tpu.memref_squeeze %dma_wait3A_117 : memref<1x1x128xi32, #tpu.memory_space<hbm>> -> memref<128xi32, #tpu.memory_space<hbm>>
        %dma_wait3A_119 = arith.constant 0 : i32
        %dma_wait3A_120 = tpu.memref_slice %arg9[%dma_wait3A_112, %dma_wait3A_119] : memref<4x128xi32, #tpu.memory_space<vmem>> -> memref<1x128xi32, #tpu.memory_space<vmem>>
        %dma_wait3A_121 = tpu.memref_squeeze %dma_wait3A_120 : memref<1x128xi32, #tpu.memory_space<vmem>> -> memref<128xi32, #tpu.memory_space<vmem>>
        %dma_wait3A_122 = arith.constant 0 : i32
        %dma_wait3A_123 = tpu.memref_slice %arg4[%add3A, %dma_wait3A_111, %dma_wait3A_122] : memref<32x79x128xi32, #tpu.memory_space<hbm>> -> memref<1x1x128xi32, #tpu.memory_space<hbm>>
        %dma_wait3A_124 = tpu.memref_squeeze %dma_wait3A_123 : memref<1x1x128xi32, #tpu.memory_space<hbm>> -> memref<128xi32, #tpu.memory_space<hbm>>
        tpu.wait_dma2 semaphore(%arg17 : memref<!tpu.dma_semaphore, #tpu.memory_space<semaphore_mem>>) src(%dma_wait3A_124 : memref<128xi32, #tpu.memory_space<hbm>>) dst(%dma_wait3A_121 : memref<128xi32, #tpu.memory_space<vmem>>)
        %dma_wait3A_125 = arith.constant 0 : i32
        %dma_wait3A_126 = arith.constant 0 : i32
        %dma_wait3A_127 = arith.constant 0 : i32
        %dma_wait3A_128 = arith.constant 0 : i32
        %dma_wait3A_129 = tpu.memref_slice %arg10[%dma_wait3A_126, %dma_wait3A_127, %dma_wait3A_128] : memref<2x128x128xf32, #tpu.memory_space<vmem>> -> memref<1x128x128xf32, #tpu.memory_space<vmem>>
        %dma_wait3A_130 = tpu.memref_squeeze %dma_wait3A_129 : memref<1x128x128xf32, #tpu.memory_space<vmem>> -> memref<128x128xf32, #tpu.memory_space<vmem>>
        %dma_wait3A_131 = arith.constant 0 : i32
        %dma_wait3A_132 = tpu.memref_slice %arg8[%dma_wait3A_125, %dma_wait3A_131] : memref<79x128xi32, #tpu.memory_space<vmem>> -> memref<1x128xi32, #tpu.memory_space<vmem>>
        %dma_wait3A_133 = tpu.memref_squeeze %dma_wait3A_132 : memref<1x128xi32, #tpu.memory_space<vmem>> -> memref<128xi32, #tpu.memory_space<vmem>>
        %dma_wait3A_134 = arith.constant 0 : i32
        %dma_wait3A_135 = arith.constant 0 : i32
        %dma_wait3A_136 = tpu.memref_slice %arg2[%dma_wait3A_134, %dma_wait3A_135] : memref<10000x128xf32, #tpu.memory_space<hbm>> -> memref<10000x128xf32, #tpu.memory_space<hbm>>
        tpu.wait_indirect_dma semaphore(%arg11 : memref<!tpu.dma_semaphore, #tpu.memory_space<semaphore_mem>>) src(%dma_wait3A_136 : memref<10000x128xf32, #tpu.memory_space<hbm>>) dst(%dma_wait3A_130 : memref<128x128xf32, #tpu.memory_space<vmem>>)
        %dma_start3A_137 = arith.constant 0 : i32
        %dma_start3A_138 = arith.constant 2 : i32
        %dma_start3A_139 = arith.constant 0 : i32
        %dma_start3A_140 = arith.constant 0 : i32
        %dma_start3A_141 = tpu.memref_slice %arg10[%dma_start3A_137, %dma_start3A_139, %dma_start3A_140] : memref<2x128x128xf32, #tpu.memory_space<vmem>> -> memref<1x128x128xf32, #tpu.memory_space<vmem>>
        %dma_start3A_142 = tpu.memref_squeeze %dma_start3A_141 : memref<1x128x128xf32, #tpu.memory_space<vmem>> -> memref<128x128xf32, #tpu.memory_space<vmem>>
        %dma_start3A_143 = arith.constant 0 : i32
        %dma_start3A_144 = tpu.memref_slice %arg9[%dma_start3A_138, %dma_start3A_143] : memref<4x128xi32, #tpu.memory_space<vmem>> -> memref<1x128xi32, #tpu.memory_space<vmem>>
        %dma_start3A_145 = tpu.memref_squeeze %dma_start3A_144 : memref<1x128xi32, #tpu.memory_space<vmem>> -> memref<128xi32, #tpu.memory_space<vmem>>
        %dma_start3A_146 = arith.constant 0 : i32
        %dma_start3A_147 = arith.constant 0 : i32
        %dma_start3A_148 = tpu.memref_slice %arg7[%dma_start3A_146, %dma_start3A_147] : memref<10240x128xf32, #tpu.memory_space<vmem_shared>> -> memref<10240x128xf32, #tpu.memory_space<vmem_shared>>
        tpu.enqueue_indirect_dma source(%dma_start3A_142 : memref<128x128xf32, #tpu.memory_space<vmem>>) target(%dma_start3A_148 : memref<10240x128xf32, #tpu.memory_space<vmem_shared>>) offsets(%dma_start3A_145 : memref<128xi32, #tpu.memory_space<vmem>>) semaphore(%arg13 : memref<!tpu.dma_semaphore, #tpu.memory_space<semaphore_mem>>) {add = true}
        %add3A_149 = arith.constant 2 : i32
        %add3A_150 = arith.addi %add3A_91, %add3A_149 : i32
        %lt3A_151 = arith.constant 79 : i32
        %lt3A_152 = arith.cmpi slt, %add3A_150, %lt3A_151 : i32
        %convert_element_type3A_153 = arith.extui %lt3A_152 : i1 to i32
        %cond3A_154 = arith.constant 0 : i32
        %cond3A_155 = arith.cmpi ne, %convert_element_type3A_153, %cond3A_154 : i32
        scf.if %cond3A_155 {
          %add3A_156 = arith.constant 2 : i32
          %add3A_157 = arith.addi %add3A_91, %add3A_156 : i32
          %dma_start3A_158 = arith.constant 0 : i32
          %dma_start3A_159 = arith.constant 0 : i32
          %dma_start3A_160 = tpu.memref_slice %arg9[%dma_start3A_158, %dma_start3A_159] : memref<4x128xi32, #tpu.memory_space<vmem>> -> memref<1x128xi32, #tpu.memory_space<vmem>>
          %dma_start3A_161 = tpu.memref_squeeze %dma_start3A_160 : memref<1x128xi32, #tpu.memory_space<vmem>> -> memref<128xi32, #tpu.memory_space<vmem>>
          %dma_start3A_162 = arith.constant 0 : i32
          %dma_start3A_163 = tpu.memref_slice %arg4[%add3A, %add3A_157, %dma_start3A_162] : memref<32x79x128xi32, #tpu.memory_space<hbm>> -> memref<1x1x128xi32, #tpu.memory_space<hbm>>
          %dma_start3A_164 = tpu.memref_squeeze %dma_start3A_163 : memref<1x1x128xi32, #tpu.memory_space<hbm>> -> memref<128xi32, #tpu.memory_space<hbm>>
          %dma_start3A_165 = arith.constant 0 : i32
          %dma_start3A_166 = tpu.memref_slice %arg9[%dma_start3A_158, %dma_start3A_165] : memref<4x128xi32, #tpu.memory_space<vmem>> -> memref<1x128xi32, #tpu.memory_space<vmem>>
          %dma_start3A_167 = tpu.memref_squeeze %dma_start3A_166 : memref<1x128xi32, #tpu.memory_space<vmem>> -> memref<128xi32, #tpu.memory_space<vmem>>
          %dma_start3A_168 = arith.constant 0 : i32
          %dma_start3A_169 = tpu.memref_slice %arg4[%add3A, %add3A_157, %dma_start3A_168] : memref<32x79x128xi32, #tpu.memory_space<hbm>> -> memref<1x1x128xi32, #tpu.memory_space<hbm>>
          %dma_start3A_170 = tpu.memref_squeeze %dma_start3A_169 : memref<1x1x128xi32, #tpu.memory_space<hbm>> -> memref<128xi32, #tpu.memory_space<hbm>>
          tpu.enqueue_dma source(%dma_start3A_170 : memref<128xi32, #tpu.memory_space<hbm>>) target(%dma_start3A_167 : memref<128xi32, #tpu.memory_space<vmem>>) target_semaphore(%arg15 : memref<!tpu.dma_semaphore, #tpu.memory_space<semaphore_mem>>)
        } else {
        }
      } else {
      }
      %add3A_97 = arith.constant 3 : i32
      %add3A_98 = arith.addi %add3A_78, %add3A_97 : i32
      %lt3A_99 = arith.constant 79 : i32
      %lt3A_100 = arith.cmpi slt, %add3A_98, %lt3A_99 : i32
      %convert_element_type3A_101 = arith.extui %lt3A_100 : i1 to i32
      %cond3A_102 = arith.constant 0 : i32
      %cond3A_103 = arith.cmpi ne, %convert_element_type3A_101, %cond3A_102 : i32
      scf.if %cond3A_103 {
        %add3A_104 = arith.constant 1 : i32
        %add3A_105 = arith.addi %add3A_98, %add3A_104 : i32
        %lt3A_106 = arith.constant 79 : i32
        %lt3A_107 = arith.cmpi slt, %add3A_105, %lt3A_106 : i32
        %convert_element_type3A_108 = arith.extui %lt3A_107 : i1 to i32
        %cond3A_109 = arith.constant 0 : i32
        %cond3A_110 = arith.cmpi ne, %convert_element_type3A_108, %cond3A_109 : i32
        scf.if %cond3A_110 {
          %ge3A = arith.constant 1 : i32
          %ge3A_156 = arith.cmpi sge, %add3A_98, %ge3A : i32
          %convert_element_type3A_157 = arith.extui %ge3A_156 : i1 to i32
          %cond3A_158 = arith.constant 0 : i32
          %cond3A_159 = arith.cmpi ne, %convert_element_type3A_157, %cond3A_158 : i32
          scf.if %cond3A_159 {
            %dma_wait3A_173 = arith.constant 0 : i32
            %dma_wait3A_174 = arith.constant 0 : i32
            %dma_wait3A_175 = arith.constant 0 : i32
            %dma_wait3A_176 = arith.constant 0 : i32
            %dma_wait3A_177 = tpu.memref_slice %arg10[%dma_wait3A_173, %dma_wait3A_175, %dma_wait3A_176] : memref<2x128x128xf32, #tpu.memory_space<vmem>> -> memref<1x128x128xf32, #tpu.memory_space<vmem>>
            %dma_wait3A_178 = tpu.memref_squeeze %dma_wait3A_177 : memref<1x128x128xf32, #tpu.memory_space<vmem>> -> memref<128x128xf32, #tpu.memory_space<vmem>>
            %dma_wait3A_179 = arith.constant 0 : i32
            %dma_wait3A_180 = tpu.memref_slice %arg9[%dma_wait3A_174, %dma_wait3A_179] : memref<4x128xi32, #tpu.memory_space<vmem>> -> memref<1x128xi32, #tpu.memory_space<vmem>>
            %dma_wait3A_181 = tpu.memref_squeeze %dma_wait3A_180 : memref<1x128xi32, #tpu.memory_space<vmem>> -> memref<128xi32, #tpu.memory_space<vmem>>
            %dma_wait3A_182 = arith.constant 0 : i32
            %dma_wait3A_183 = arith.constant 0 : i32
            %dma_wait3A_184 = tpu.memref_slice %arg7[%dma_wait3A_182, %dma_wait3A_183] : memref<10240x128xf32, #tpu.memory_space<vmem_shared>> -> memref<10240x128xf32, #tpu.memory_space<vmem_shared>>
            tpu.wait_indirect_dma semaphore(%arg13 : memref<!tpu.dma_semaphore, #tpu.memory_space<semaphore_mem>>) src(%dma_wait3A_178 : memref<128x128xf32, #tpu.memory_space<vmem>>) dst(%dma_wait3A_184 : memref<10240x128xf32, #tpu.memory_space<vmem_shared>>)
          } else {
          }
          %add3A_160 = arith.constant 1 : i32
          %add3A_161 = arith.addi %add3A_98, %add3A_160 : i32
          %dma_start3A_162 = arith.constant 0 : i32
          %dma_start3A_163 = arith.constant 0 : i32
          %dma_start3A_164 = arith.constant 0 : i32
          %dma_start3A_165 = tpu.memref_slice %arg10[%dma_start3A_162, %dma_start3A_163, %dma_start3A_164] : memref<2x128x128xf32, #tpu.memory_space<vmem>> -> memref<1x128x128xf32, #tpu.memory_space<vmem>>
          %dma_start3A_166 = tpu.memref_squeeze %dma_start3A_165 : memref<1x128x128xf32, #tpu.memory_space<vmem>> -> memref<128x128xf32, #tpu.memory_space<vmem>>
          %dma_start3A_167 = arith.constant 0 : i32
          %dma_start3A_168 = tpu.memref_slice %arg8[%add3A_161, %dma_start3A_167] : memref<79x128xi32, #tpu.memory_space<vmem>> -> memref<1x128xi32, #tpu.memory_space<vmem>>
          %dma_start3A_169 = tpu.memref_squeeze %dma_start3A_168 : memref<1x128xi32, #tpu.memory_space<vmem>> -> memref<128xi32, #tpu.memory_space<vmem>>
          %dma_start3A_170 = arith.constant 0 : i32
          %dma_start3A_171 = arith.constant 0 : i32
          %dma_start3A_172 = tpu.memref_slice %arg2[%dma_start3A_170, %dma_start3A_171] : memref<10000x128xf32, #tpu.memory_space<hbm>> -> memref<10000x128xf32, #tpu.memory_space<hbm>>
          tpu.enqueue_indirect_dma source(%dma_start3A_172 : memref<10000x128xf32, #tpu.memory_space<hbm>>) target(%dma_start3A_166 : memref<128x128xf32, #tpu.memory_space<vmem>>) offsets(%dma_start3A_169 : memref<128xi32, #tpu.memory_space<vmem>>) semaphore(%arg11 : memref<!tpu.dma_semaphore, #tpu.memory_space<semaphore_mem>>)
        } else {
        }
        %dma_wait3A_111 = arith.constant 0 : i32
        %dma_wait3A_112 = arith.constant 3 : i32
        %dma_wait3A_113 = arith.constant 0 : i32
        %dma_wait3A_114 = tpu.memref_slice %arg9[%dma_wait3A_112, %dma_wait3A_113] : memref<4x128xi32, #tpu.memory_space<vmem>> -> memref<1x128xi32, #tpu.memory_space<vmem>>
        %dma_wait3A_115 = tpu.memref_squeeze %dma_wait3A_114 : memref<1x128xi32, #tpu.memory_space<vmem>> -> memref<128xi32, #tpu.memory_space<vmem>>
        %dma_wait3A_116 = arith.constant 0 : i32
        %dma_wait3A_117 = tpu.memref_slice %arg4[%add3A, %dma_wait3A_111, %dma_wait3A_116] : memref<32x79x128xi32, #tpu.memory_space<hbm>> -> memref<1x1x128xi32, #tpu.memory_space<hbm>>
        %dma_wait3A_118 = tpu.memref_squeeze %dma_wait3A_117 : memref<1x1x128xi32, #tpu.memory_space<hbm>> -> memref<128xi32, #tpu.memory_space<hbm>>
        %dma_wait3A_119 = arith.constant 0 : i32
        %dma_wait3A_120 = tpu.memref_slice %arg9[%dma_wait3A_112, %dma_wait3A_119] : memref<4x128xi32, #tpu.memory_space<vmem>> -> memref<1x128xi32, #tpu.memory_space<vmem>>
        %dma_wait3A_121 = tpu.memref_squeeze %dma_wait3A_120 : memref<1x128xi32, #tpu.memory_space<vmem>> -> memref<128xi32, #tpu.memory_space<vmem>>
        %dma_wait3A_122 = arith.constant 0 : i32
        %dma_wait3A_123 = tpu.memref_slice %arg4[%add3A, %dma_wait3A_111, %dma_wait3A_122] : memref<32x79x128xi32, #tpu.memory_space<hbm>> -> memref<1x1x128xi32, #tpu.memory_space<hbm>>
        %dma_wait3A_124 = tpu.memref_squeeze %dma_wait3A_123 : memref<1x1x128xi32, #tpu.memory_space<hbm>> -> memref<128xi32, #tpu.memory_space<hbm>>
        tpu.wait_dma2 semaphore(%arg18 : memref<!tpu.dma_semaphore, #tpu.memory_space<semaphore_mem>>) src(%dma_wait3A_124 : memref<128xi32, #tpu.memory_space<hbm>>) dst(%dma_wait3A_121 : memref<128xi32, #tpu.memory_space<vmem>>)
        %dma_wait3A_125 = arith.constant 0 : i32
        %dma_wait3A_126 = arith.constant 1 : i32
        %dma_wait3A_127 = arith.constant 0 : i32
        %dma_wait3A_128 = arith.constant 0 : i32
        %dma_wait3A_129 = tpu.memref_slice %arg10[%dma_wait3A_126, %dma_wait3A_127, %dma_wait3A_128] : memref<2x128x128xf32, #tpu.memory_space<vmem>> -> memref<1x128x128xf32, #tpu.memory_space<vmem>>
        %dma_wait3A_130 = tpu.memref_squeeze %dma_wait3A_129 : memref<1x128x128xf32, #tpu.memory_space<vmem>> -> memref<128x128xf32, #tpu.memory_space<vmem>>
        %dma_wait3A_131 = arith.constant 0 : i32
        %dma_wait3A_132 = tpu.memref_slice %arg8[%dma_wait3A_125, %dma_wait3A_131] : memref<79x128xi32, #tpu.memory_space<vmem>> -> memref<1x128xi32, #tpu.memory_space<vmem>>
        %dma_wait3A_133 = tpu.memref_squeeze %dma_wait3A_132 : memref<1x128xi32, #tpu.memory_space<vmem>> -> memref<128xi32, #tpu.memory_space<vmem>>
        %dma_wait3A_134 = arith.constant 0 : i32
        %dma_wait3A_135 = arith.constant 0 : i32
        %dma_wait3A_136 = tpu.memref_slice %arg2[%dma_wait3A_134, %dma_wait3A_135] : memref<10000x128xf32, #tpu.memory_space<hbm>> -> memref<10000x128xf32, #tpu.memory_space<hbm>>
        tpu.wait_indirect_dma semaphore(%arg12 : memref<!tpu.dma_semaphore, #tpu.memory_space<semaphore_mem>>) src(%dma_wait3A_136 : memref<10000x128xf32, #tpu.memory_space<hbm>>) dst(%dma_wait3A_130 : memref<128x128xf32, #tpu.memory_space<vmem>>)
        %dma_start3A_137 = arith.constant 1 : i32
        %dma_start3A_138 = arith.constant 3 : i32
        %dma_start3A_139 = arith.constant 0 : i32
        %dma_start3A_140 = arith.constant 0 : i32
        %dma_start3A_141 = tpu.memref_slice %arg10[%dma_start3A_137, %dma_start3A_139, %dma_start3A_140] : memref<2x128x128xf32, #tpu.memory_space<vmem>> -> memref<1x128x128xf32, #tpu.memory_space<vmem>>
        %dma_start3A_142 = tpu.memref_squeeze %dma_start3A_141 : memref<1x128x128xf32, #tpu.memory_space<vmem>> -> memref<128x128xf32, #tpu.memory_space<vmem>>
        %dma_start3A_143 = arith.constant 0 : i32
        %dma_start3A_144 = tpu.memref_slice %arg9[%dma_start3A_138, %dma_start3A_143] : memref<4x128xi32, #tpu.memory_space<vmem>> -> memref<1x128xi32, #tpu.memory_space<vmem>>
        %dma_start3A_145 = tpu.memref_squeeze %dma_start3A_144 : memref<1x128xi32, #tpu.memory_space<vmem>> -> memref<128xi32, #tpu.memory_space<vmem>>
        %dma_start3A_146 = arith.constant 0 : i32
        %dma_start3A_147 = arith.constant 0 : i32
        %dma_start3A_148 = tpu.memref_slice %arg7[%dma_start3A_146, %dma_start3A_147] : memref<10240x128xf32, #tpu.memory_space<vmem_shared>> -> memref<10240x128xf32, #tpu.memory_space<vmem_shared>>
        tpu.enqueue_indirect_dma source(%dma_start3A_142 : memref<128x128xf32, #tpu.memory_space<vmem>>) target(%dma_start3A_148 : memref<10240x128xf32, #tpu.memory_space<vmem_shared>>) offsets(%dma_start3A_145 : memref<128xi32, #tpu.memory_space<vmem>>) semaphore(%arg14 : memref<!tpu.dma_semaphore, #tpu.memory_space<semaphore_mem>>) {add = true}
        %add3A_149 = arith.constant 2 : i32
        %add3A_150 = arith.addi %add3A_98, %add3A_149 : i32
        %lt3A_151 = arith.constant 79 : i32
        %lt3A_152 = arith.cmpi slt, %add3A_150, %lt3A_151 : i32
        %convert_element_type3A_153 = arith.extui %lt3A_152 : i1 to i32
        %cond3A_154 = arith.constant 0 : i32
        %cond3A_155 = arith.cmpi ne, %convert_element_type3A_153, %cond3A_154 : i32
        scf.if %cond3A_155 {
          %add3A_156 = arith.constant 2 : i32
          %add3A_157 = arith.addi %add3A_98, %add3A_156 : i32
          %dma_start3A_158 = arith.constant 1 : i32
          %dma_start3A_159 = arith.constant 0 : i32
          %dma_start3A_160 = tpu.memref_slice %arg9[%dma_start3A_158, %dma_start3A_159] : memref<4x128xi32, #tpu.memory_space<vmem>> -> memref<1x128xi32, #tpu.memory_space<vmem>>
          %dma_start3A_161 = tpu.memref_squeeze %dma_start3A_160 : memref<1x128xi32, #tpu.memory_space<vmem>> -> memref<128xi32, #tpu.memory_space<vmem>>
          %dma_start3A_162 = arith.constant 0 : i32
          %dma_start3A_163 = tpu.memref_slice %arg4[%add3A, %add3A_157, %dma_start3A_162] : memref<32x79x128xi32, #tpu.memory_space<hbm>> -> memref<1x1x128xi32, #tpu.memory_space<hbm>>
          %dma_start3A_164 = tpu.memref_squeeze %dma_start3A_163 : memref<1x1x128xi32, #tpu.memory_space<hbm>> -> memref<128xi32, #tpu.memory_space<hbm>>
          %dma_start3A_165 = arith.constant 0 : i32
          %dma_start3A_166 = tpu.memref_slice %arg9[%dma_start3A_158, %dma_start3A_165] : memref<4x128xi32, #tpu.memory_space<vmem>> -> memref<1x128xi32, #tpu.memory_space<vmem>>
          %dma_start3A_167 = tpu.memref_squeeze %dma_start3A_166 : memref<1x128xi32, #tpu.memory_space<vmem>> -> memref<128xi32, #tpu.memory_space<vmem>>
          %dma_start3A_168 = arith.constant 0 : i32
          %dma_start3A_169 = tpu.memref_slice %arg4[%add3A, %add3A_157, %dma_start3A_168] : memref<32x79x128xi32, #tpu.memory_space<hbm>> -> memref<1x1x128xi32, #tpu.memory_space<hbm>>
          %dma_start3A_170 = tpu.memref_squeeze %dma_start3A_169 : memref<1x1x128xi32, #tpu.memory_space<hbm>> -> memref<128xi32, #tpu.memory_space<hbm>>
          tpu.enqueue_dma source(%dma_start3A_170 : memref<128xi32, #tpu.memory_space<hbm>>) target(%dma_start3A_167 : memref<128xi32, #tpu.memory_space<vmem>>) target_semaphore(%arg16 : memref<!tpu.dma_semaphore, #tpu.memory_space<semaphore_mem>>)
        } else {
        }
      } else {
      }
    }
    %scan3A_45 = arith.constant 20 : i32
    %dma_wait3A = arith.constant 0 : i32
    %dma_wait3A_46 = arith.constant 0 : i32
    %dma_wait3A_47 = arith.constant 0 : i32
    %dma_wait3A_48 = arith.constant 0 : i32
    %dma_wait3A_49 = tpu.memref_slice %arg10[%dma_wait3A, %dma_wait3A_47, %dma_wait3A_48] : memref<2x128x128xf32, #tpu.memory_space<vmem>> -> memref<1x128x128xf32, #tpu.memory_space<vmem>>
    %dma_wait3A_50 = tpu.memref_squeeze %dma_wait3A_49 : memref<1x128x128xf32, #tpu.memory_space<vmem>> -> memref<128x128xf32, #tpu.memory_space<vmem>>
    %dma_wait3A_51 = arith.constant 0 : i32
    %dma_wait3A_52 = tpu.memref_slice %arg9[%dma_wait3A_46, %dma_wait3A_51] : memref<4x128xi32, #tpu.memory_space<vmem>> -> memref<1x128xi32, #tpu.memory_space<vmem>>
    %dma_wait3A_53 = tpu.memref_squeeze %dma_wait3A_52 : memref<1x128xi32, #tpu.memory_space<vmem>> -> memref<128xi32, #tpu.memory_space<vmem>>
    %dma_wait3A_54 = arith.constant 0 : i32
    %dma_wait3A_55 = arith.constant 0 : i32
    %dma_wait3A_56 = tpu.memref_slice %arg7[%dma_wait3A_54, %dma_wait3A_55] : memref<10240x128xf32, #tpu.memory_space<vmem_shared>> -> memref<10240x128xf32, #tpu.memory_space<vmem_shared>>
    tpu.wait_indirect_dma semaphore(%arg13 : memref<!tpu.dma_semaphore, #tpu.memory_space<semaphore_mem>>) src(%dma_wait3A_50 : memref<128x128xf32, #tpu.memory_space<vmem>>) dst(%dma_wait3A_56 : memref<10240x128xf32, #tpu.memory_space<vmem_shared>>)
    %dma_wait3A_57 = arith.constant 1 : i32
    %dma_wait3A_58 = arith.constant 0 : i32
    %dma_wait3A_59 = arith.constant 0 : i32
    %dma_wait3A_60 = arith.constant 0 : i32
    %dma_wait3A_61 = tpu.memref_slice %arg10[%dma_wait3A_57, %dma_wait3A_59, %dma_wait3A_60] : memref<2x128x128xf32, #tpu.memory_space<vmem>> -> memref<1x128x128xf32, #tpu.memory_space<vmem>>
    %dma_wait3A_62 = tpu.memref_squeeze %dma_wait3A_61 : memref<1x128x128xf32, #tpu.memory_space<vmem>> -> memref<128x128xf32, #tpu.memory_space<vmem>>
    %dma_wait3A_63 = arith.constant 0 : i32
    %dma_wait3A_64 = tpu.memref_slice %arg9[%dma_wait3A_58, %dma_wait3A_63] : memref<4x128xi32, #tpu.memory_space<vmem>> -> memref<1x128xi32, #tpu.memory_space<vmem>>
    %dma_wait3A_65 = tpu.memref_squeeze %dma_wait3A_64 : memref<1x128xi32, #tpu.memory_space<vmem>> -> memref<128xi32, #tpu.memory_space<vmem>>
    %dma_wait3A_66 = arith.constant 0 : i32
    %dma_wait3A_67 = arith.constant 0 : i32
    %dma_wait3A_68 = tpu.memref_slice %arg7[%dma_wait3A_66, %dma_wait3A_67] : memref<10240x128xf32, #tpu.memory_space<vmem_shared>> -> memref<10240x128xf32, #tpu.memory_space<vmem_shared>>
    tpu.wait_indirect_dma semaphore(%arg14 : memref<!tpu.dma_semaphore, #tpu.memory_space<semaphore_mem>>) src(%dma_wait3A_62 : memref<128x128xf32, #tpu.memory_space<vmem>>) dst(%dma_wait3A_68 : memref<10240x128xf32, #tpu.memory_space<vmem_shared>>)
    %barrier3A_69 = arith.constant 0 : index
    tpu.barrier barrier_id(%barrier3A_69)
    %mul3A_70 = arith.constant 640 : i32
    %mul3A_71 = arith.muli %arg1, %mul3A_70 : i32
    %mul3A_72 = arith.constant 640 : i32
    %mul3A_73 = arith.muli %arg1, %mul3A_72 : i32
    "tpu.region"() ({
      %run_scoped3A = tpu.sem_alloc : memref<!tpu.dma_semaphore, #tpu.memory_space<semaphore_mem>>
      %dma_start3A_74 = arith.constant 0 : i32
      %dma_start3A_75 = tpu.memref_slice %arg6[%arg0, %mul3A_73, %dma_start3A_74] : memref<2x10240x128xf32, #tpu.memory_space<hbm>> -> memref<1x640x128xf32, #tpu.memory_space<hbm>>
      %dma_start3A_76 = tpu.memref_squeeze %dma_start3A_75 : memref<1x640x128xf32, #tpu.memory_space<hbm>> -> memref<640x128xf32, #tpu.memory_space<hbm>>
      %dma_start3A_77 = arith.constant 0 : i32
      %dma_start3A_78 = tpu.memref_slice %arg7[%mul3A_71, %dma_start3A_77] : memref<10240x128xf32, #tpu.memory_space<vmem_shared>> -> memref<640x128xf32, #tpu.memory_space<vmem_shared>>
      tpu.enqueue_dma source(%dma_start3A_78 : memref<640x128xf32, #tpu.memory_space<vmem_shared>>) target(%dma_start3A_76 : memref<640x128xf32, #tpu.memory_space<hbm>>) target_semaphore(%run_scoped3A : memref<!tpu.dma_semaphore, #tpu.memory_space<semaphore_mem>>)
      %dma_wait3A_79 = arith.constant 0 : i32
      %dma_wait3A_80 = tpu.memref_slice %arg6[%arg0, %mul3A_73, %dma_wait3A_79] : memref<2x10240x128xf32, #tpu.memory_space<hbm>> -> memref<1x640x128xf32, #tpu.memory_space<hbm>>
      %dma_wait3A_81 = tpu.memref_squeeze %dma_wait3A_80 : memref<1x640x128xf32, #tpu.memory_space<hbm>> -> memref<640x128xf32, #tpu.memory_space<hbm>>
      %dma_wait3A_82 = arith.constant 0 : i32
      %dma_wait3A_83 = tpu.memref_slice %arg7[%mul3A_71, %dma_wait3A_82] : memref<10240x128xf32, #tpu.memory_space<vmem_shared>> -> memref<640x128xf32, #tpu.memory_space<vmem_shared>>
      tpu.wait_dma2 semaphore(%run_scoped3A : memref<!tpu.dma_semaphore, #tpu.memory_space<semaphore_mem>>) src(%dma_wait3A_83 : memref<640x128xf32, #tpu.memory_space<vmem_shared>>) dst(%dma_wait3A_81 : memref<640x128xf32, #tpu.memory_space<hbm>>)
      tpu.yield
    }) : () -> ()
    return
  }
}

#map = affine_map<(d0, d1) -> (0)>
#map1 = affine_map<(d0, d1) -> (0, 0)>
module attributes {stable_mosaic.version = 14 : i64} {
  func.func @_sc_degree_body(%arg0: i32, %arg1: i32, %arg2: memref<640000xi32, #tpu.memory_space<hbm>>, %arg3: memref<640xf32, #tpu.memory_space<hbm>>, %arg4: memref<2x10240xf32, #tpu.memory_space<hbm>>, %arg5: memref<10240xf32, #tpu.memory_space<vmem_shared>>, %arg6: memref<9984xi32, #tpu.memory_space<vmem>>, %arg7: memref<128xi32, #tpu.memory_space<vmem>>, %arg8: memref<128xf32, #tpu.memory_space<vmem>>, %arg9: memref<!tpu.dma_semaphore, #tpu.memory_space<semaphore_mem>>) attributes {dimension_semantics = [#tpu.dimension_semantics<core_parallel>, #tpu.dimension_semantics<subcore_parallel>], iteration_bounds = array<i64: 2, 16>, scalar_prefetch = 0 : i64, scratch_operands = 5 : i64, tpu.core_type = #tpu.core_type<sc_vector_subcore>, window_params = [{transform_indices = #map}, {transform_indices = #map}, {transform_indices = #map1}]} {
    %mul3A = arith.constant 16 : i32
    %mul3A_0 = arith.muli %arg0, %mul3A : i32
    %add3A = arith.addi %mul3A_0, %arg1 : i32
    %broadcast_in_dim3A = arith.constant 1.000000e+00 : f32
    %broadcast_in_dim3A_1 = vector.broadcast %broadcast_in_dim3A : f32 to vector<16xf32>
    %swap3A = arith.constant 0 : index
    %swap3A_2 = tpu.vector_load %arg8[%swap3A] {strides = array<i32>} : memref<128xf32, #tpu.memory_space<vmem>>, vector<16xf32>,
    %swap3A_3 = vector.shape_cast %swap3A_2 : vector<16xf32> to vector<16xf32>
    %swap3A_4 = vector.shape_cast %broadcast_in_dim3A_1 : vector<16xf32> to vector<16xf32>
    tpu.vector_store %arg8[%swap3A], %swap3A_4 {strides = array<i32>} : memref<128xf32, #tpu.memory_space<vmem>>, vector<16xf32>,
    %broadcast_in_dim3A_5 = arith.constant 1.000000e+00 : f32
    %broadcast_in_dim3A_6 = vector.broadcast %broadcast_in_dim3A_5 : f32 to vector<16xf32>
    %swap3A_7 = arith.constant 16 : index
    %swap3A_8 = tpu.vector_load %arg8[%swap3A_7] {strides = array<i32>} : memref<128xf32, #tpu.memory_space<vmem>>, vector<16xf32>,
    %swap3A_9 = vector.shape_cast %swap3A_8 : vector<16xf32> to vector<16xf32>
    %swap3A_10 = vector.shape_cast %broadcast_in_dim3A_6 : vector<16xf32> to vector<16xf32>
    tpu.vector_store %arg8[%swap3A_7], %swap3A_10 {strides = array<i32>} : memref<128xf32, #tpu.memory_space<vmem>>, vector<16xf32>,
    %broadcast_in_dim3A_11 = arith.constant 1.000000e+00 : f32
    %broadcast_in_dim3A_12 = vector.broadcast %broadcast_in_dim3A_11 : f32 to vector<16xf32>
    %swap3A_13 = arith.constant 32 : index
    %swap3A_14 = tpu.vector_load %arg8[%swap3A_13] {strides = array<i32>} : memref<128xf32, #tpu.memory_space<vmem>>, vector<16xf32>,
    %swap3A_15 = vector.shape_cast %swap3A_14 : vector<16xf32> to vector<16xf32>
    %swap3A_16 = vector.shape_cast %broadcast_in_dim3A_12 : vector<16xf32> to vector<16xf32>
    tpu.vector_store %arg8[%swap3A_13], %swap3A_16 {strides = array<i32>} : memref<128xf32, #tpu.memory_space<vmem>>, vector<16xf32>,
    %broadcast_in_dim3A_17 = arith.constant 1.000000e+00 : f32
    %broadcast_in_dim3A_18 = vector.broadcast %broadcast_in_dim3A_17 : f32 to vector<16xf32>
    %swap3A_19 = arith.constant 48 : index
    %swap3A_20 = tpu.vector_load %arg8[%swap3A_19] {strides = array<i32>} : memref<128xf32, #tpu.memory_space<vmem>>, vector<16xf32>,
    %swap3A_21 = vector.shape_cast %swap3A_20 : vector<16xf32> to vector<16xf32>
    %swap3A_22 = vector.shape_cast %broadcast_in_dim3A_18 : vector<16xf32> to vector<16xf32>
    tpu.vector_store %arg8[%swap3A_19], %swap3A_22 {strides = array<i32>} : memref<128xf32, #tpu.memory_space<vmem>>, vector<16xf32>,
    %broadcast_in_dim3A_23 = arith.constant 1.000000e+00 : f32
    %broadcast_in_dim3A_24 = vector.broadcast %broadcast_in_dim3A_23 : f32 to vector<16xf32>
    %swap3A_25 = arith.constant 64 : index
    %swap3A_26 = tpu.vector_load %arg8[%swap3A_25] {strides = array<i32>} : memref<128xf32, #tpu.memory_space<vmem>>, vector<16xf32>,
    %swap3A_27 = vector.shape_cast %swap3A_26 : vector<16xf32> to vector<16xf32>
    %swap3A_28 = vector.shape_cast %broadcast_in_dim3A_24 : vector<16xf32> to vector<16xf32>
    tpu.vector_store %arg8[%swap3A_25], %swap3A_28 {strides = array<i32>} : memref<128xf32, #tpu.memory_space<vmem>>, vector<16xf32>,
    %broadcast_in_dim3A_29 = arith.constant 1.000000e+00 : f32
    %broadcast_in_dim3A_30 = vector.broadcast %broadcast_in_dim3A_29 : f32 to vector<16xf32>
    %swap3A_31 = arith.constant 80 : index
    %swap3A_32 = tpu.vector_load %arg8[%swap3A_31] {strides = array<i32>} : memref<128xf32, #tpu.memory_space<vmem>>, vector<16xf32>,
    %swap3A_33 = vector.shape_cast %swap3A_32 : vector<16xf32> to vector<16xf32>
    %swap3A_34 = vector.shape_cast %broadcast_in_dim3A_30 : vector<16xf32> to vector<16xf32>
    tpu.vector_store %arg8[%swap3A_31], %swap3A_34 {strides = array<i32>} : memref<128xf32, #tpu.memory_space<vmem>>, vector<16xf32>,
    %broadcast_in_dim3A_35 = arith.constant 1.000000e+00 : f32
    %broadcast_in_dim3A_36 = vector.broadcast %broadcast_in_dim3A_35 : f32 to vector<16xf32>
    %swap3A_37 = arith.constant 96 : index
    %swap3A_38 = tpu.vector_load %arg8[%swap3A_37] {strides = array<i32>} : memref<128xf32, #tpu.memory_space<vmem>>, vector<16xf32>,
    %swap3A_39 = vector.shape_cast %swap3A_38 : vector<16xf32> to vector<16xf32>
    %swap3A_40 = vector.shape_cast %broadcast_in_dim3A_36 : vector<16xf32> to vector<16xf32>
    tpu.vector_store %arg8[%swap3A_37], %swap3A_40 {strides = array<i32>} : memref<128xf32, #tpu.memory_space<vmem>>, vector<16xf32>,
    %broadcast_in_dim3A_41 = arith.constant 1.000000e+00 : f32
    %broadcast_in_dim3A_42 = vector.broadcast %broadcast_in_dim3A_41 : f32 to vector<16xf32>
    %swap3A_43 = arith.constant 112 : index
    %swap3A_44 = tpu.vector_load %arg8[%swap3A_43] {strides = array<i32>} : memref<128xf32, #tpu.memory_space<vmem>>, vector<16xf32>,
    %swap3A_45 = vector.shape_cast %swap3A_44 : vector<16xf32> to vector<16xf32>
    %swap3A_46 = vector.shape_cast %broadcast_in_dim3A_42 : vector<16xf32> to vector<16xf32>
    tpu.vector_store %arg8[%swap3A_43], %swap3A_46 {strides = array<i32>} : memref<128xf32, #tpu.memory_space<vmem>>, vector<16xf32>,
    %iota3A = tpu.iota {dimensions = array<i32: 0>} : vector<16xi32>
    %add3A_47 = arith.constant 0 : i32
    %add3A_48 = vector.broadcast %add3A_47 : i32 to vector<16xi32>
    %add3A_49 = arith.addi %add3A_48, %iota3A : vector<16xi32>
    %mul3A_50 = arith.constant 13 : i32
    %mul3A_51 = arith.muli %arg1, %mul3A_50 : i32
    %add3A_52 = vector.broadcast %mul3A_51 : i32 to vector<16xi32>
    %add3A_53 = arith.addi %add3A_49, %add3A_52 : vector<16xi32>
    %jit3A = arith.constant 240 : i32
    %eq3A = arith.constant 0 : i32
    %eq3A_54 = arith.cmpi eq, %jit3A, %eq3A : i32
    %jit3A_55 = arith.constant 1 : i32
    %select_n3A = arith.select %eq3A_54, %jit3A_55, %jit3A : i32
    %rem3A = vector.broadcast %select_n3A : i32 to vector<16xi32>
    %rem3A_56 = arith.remsi %add3A_53, %rem3A : vector<16xi32>
    %ne3A = arith.constant 0 : i32
    %ne3A_57 = vector.broadcast %ne3A : i32 to vector<16xi32>
    %ne3A_58 = arith.cmpi ne, %rem3A_56, %ne3A_57 : vector<16xi32>
    %lt3A = arith.constant 0 : i32
    %lt3A_59 = vector.broadcast %lt3A : i32 to vector<16xi32>
    %lt3A_60 = arith.cmpi slt, %rem3A_56, %lt3A_59 : vector<16xi32>
    %lt3A_61 = arith.constant 0 : i32
    %lt3A_62 = arith.cmpi slt, %select_n3A, %lt3A_61 : i32
    %ne3A_63 = vector.broadcast %lt3A_62 : i1 to vector<16xi1>
    %ne3A_64 = vector.broadcast %ne3A_63 : vector<16xi1> to vector<16xi1>
    %ne3A_65 = arith.xori %lt3A_60, %ne3A_64 : vector<16xi1>
    %and3A = arith.andi %ne3A_65, %ne3A_58 : vector<16xi1>
    %add3A_66 = vector.broadcast %select_n3A : i32 to vector<16xi32>
    %add3A_67 = arith.addi %rem3A_56, %add3A_66 : vector<16xi32>
    %select_n3A_68 = arith.select %and3A, %add3A_67, %rem3A_56 : vector<16xi1>, vector<16xi32>
    %add3A_69 = arith.constant 10000 : i32
    %add3A_70 = vector.broadcast %add3A_69 : i32 to vector<16xi32>
    %add3A_71 = arith.addi %add3A_70, %select_n3A_68 : vector<16xi32>
    %swap3A_72 = arith.constant 0 : index
    %swap3A_73 = tpu.vector_load %arg7[%swap3A_72] {strides = array<i32>} : memref<128xi32, #tpu.memory_space<vmem>>, vector<16xi32>,
    %swap3A_74 = vector.shape_cast %swap3A_73 : vector<16xi32> to vector<16xi32>
    %swap3A_75 = vector.shape_cast %add3A_71 : vector<16xi32> to vector<16xi32>
    tpu.vector_store %arg7[%swap3A_72], %swap3A_75 {strides = array<i32>} : memref<128xi32, #tpu.memory_space<vmem>>, vector<16xi32>,
    %add3A_76 = arith.constant 16 : i32
    %add3A_77 = vector.broadcast %add3A_76 : i32 to vector<16xi32>
    %add3A_78 = arith.addi %add3A_77, %iota3A : vector<16xi32>
    %mul3A_79 = arith.constant 13 : i32
    %mul3A_80 = arith.muli %arg1, %mul3A_79 : i32
    %add3A_81 = vector.broadcast %mul3A_80 : i32 to vector<16xi32>
    %add3A_82 = arith.addi %add3A_78, %add3A_81 : vector<16xi32>
    %jit3A_83 = arith.constant 240 : i32
    %eq3A_84 = arith.constant 0 : i32
    %eq3A_85 = arith.cmpi eq, %jit3A_83, %eq3A_84 : i32
    %jit3A_86 = arith.constant 1 : i32
    %select_n3A_87 = arith.select %eq3A_85, %jit3A_86, %jit3A_83 : i32
    %rem3A_88 = vector.broadcast %select_n3A_87 : i32 to vector<16xi32>
    %rem3A_89 = arith.remsi %add3A_82, %rem3A_88 : vector<16xi32>
    %ne3A_90 = arith.constant 0 : i32
    %ne3A_91 = vector.broadcast %ne3A_90 : i32 to vector<16xi32>
    %ne3A_92 = arith.cmpi ne, %rem3A_89, %ne3A_91 : vector<16xi32>
    %lt3A_93 = arith.constant 0 : i32
    %lt3A_94 = vector.broadcast %lt3A_93 : i32 to vector<16xi32>
    %lt3A_95 = arith.cmpi slt, %rem3A_89, %lt3A_94 : vector<16xi32>
    %lt3A_96 = arith.constant 0 : i32
    %lt3A_97 = arith.cmpi slt, %select_n3A_87, %lt3A_96 : i32
    %ne3A_98 = vector.broadcast %lt3A_97 : i1 to vector<16xi1>
    %ne3A_99 = vector.broadcast %ne3A_98 : vector<16xi1> to vector<16xi1>
    %ne3A_100 = arith.xori %lt3A_95, %ne3A_99 : vector<16xi1>
    %and3A_101 = arith.andi %ne3A_100, %ne3A_92 : vector<16xi1>
    %add3A_102 = vector.broadcast %select_n3A_87 : i32 to vector<16xi32>
    %add3A_103 = arith.addi %rem3A_89, %add3A_102 : vector<16xi32>
    %select_n3A_104 = arith.select %and3A_101, %add3A_103, %rem3A_89 : vector<16xi1>, vector<16xi32>
    %add3A_105 = arith.constant 10000 : i32
    %add3A_106 = vector.broadcast %add3A_105 : i32 to vector<16xi32>
    %add3A_107 = arith.addi %add3A_106, %select_n3A_104 : vector<16xi32>
    %swap3A_108 = arith.constant 16 : index
    %swap3A_109 = tpu.vector_load %arg7[%swap3A_108] {strides = array<i32>} : memref<128xi32, #tpu.memory_space<vmem>>, vector<16xi32>,
    %swap3A_110 = vector.shape_cast %swap3A_109 : vector<16xi32> to vector<16xi32>
    %swap3A_111 = vector.shape_cast %add3A_107 : vector<16xi32> to vector<16xi32>
    tpu.vector_store %arg7[%swap3A_108], %swap3A_111 {strides = array<i32>} : memref<128xi32, #tpu.memory_space<vmem>>, vector<16xi32>,
    %add3A_112 = arith.constant 32 : i32
    %add3A_113 = vector.broadcast %add3A_112 : i32 to vector<16xi32>
    %add3A_114 = arith.addi %add3A_113, %iota3A : vector<16xi32>
    %mul3A_115 = arith.constant 13 : i32
    %mul3A_116 = arith.muli %arg1, %mul3A_115 : i32
    %add3A_117 = vector.broadcast %mul3A_116 : i32 to vector<16xi32>
    %add3A_118 = arith.addi %add3A_114, %add3A_117 : vector<16xi32>
    %jit3A_119 = arith.constant 240 : i32
    %eq3A_120 = arith.constant 0 : i32
    %eq3A_121 = arith.cmpi eq, %jit3A_119, %eq3A_120 : i32
    %jit3A_122 = arith.constant 1 : i32
    %select_n3A_123 = arith.select %eq3A_121, %jit3A_122, %jit3A_119 : i32
    %rem3A_124 = vector.broadcast %select_n3A_123 : i32 to vector<16xi32>
    %rem3A_125 = arith.remsi %add3A_118, %rem3A_124 : vector<16xi32>
    %ne3A_126 = arith.constant 0 : i32
    %ne3A_127 = vector.broadcast %ne3A_126 : i32 to vector<16xi32>
    %ne3A_128 = arith.cmpi ne, %rem3A_125, %ne3A_127 : vector<16xi32>
    %lt3A_129 = arith.constant 0 : i32
    %lt3A_130 = vector.broadcast %lt3A_129 : i32 to vector<16xi32>
    %lt3A_131 = arith.cmpi slt, %rem3A_125, %lt3A_130 : vector<16xi32>
    %lt3A_132 = arith.constant 0 : i32
    %lt3A_133 = arith.cmpi slt, %select_n3A_123, %lt3A_132 : i32
    %ne3A_134 = vector.broadcast %lt3A_133 : i1 to vector<16xi1>
    %ne3A_135 = vector.broadcast %ne3A_134 : vector<16xi1> to vector<16xi1>
    %ne3A_136 = arith.xori %lt3A_131, %ne3A_135 : vector<16xi1>
    %and3A_137 = arith.andi %ne3A_136, %ne3A_128 : vector<16xi1>
    %add3A_138 = vector.broadcast %select_n3A_123 : i32 to vector<16xi32>
    %add3A_139 = arith.addi %rem3A_125, %add3A_138 : vector<16xi32>
    %select_n3A_140 = arith.select %and3A_137, %add3A_139, %rem3A_125 : vector<16xi1>, vector<16xi32>
    %add3A_141 = arith.constant 10000 : i32
    %add3A_142 = vector.broadcast %add3A_141 : i32 to vector<16xi32>
    %add3A_143 = arith.addi %add3A_142, %select_n3A_140 : vector<16xi32>
    %swap3A_144 = arith.constant 32 : index
    %swap3A_145 = tpu.vector_load %arg7[%swap3A_144] {strides = array<i32>} : memref<128xi32, #tpu.memory_space<vmem>>, vector<16xi32>,
    %swap3A_146 = vector.shape_cast %swap3A_145 : vector<16xi32> to vector<16xi32>
    %swap3A_147 = vector.shape_cast %add3A_143 : vector<16xi32> to vector<16xi32>
    tpu.vector_store %arg7[%swap3A_144], %swap3A_147 {strides = array<i32>} : memref<128xi32, #tpu.memory_space<vmem>>, vector<16xi32>,
    %add3A_148 = arith.constant 48 : i32
    %add3A_149 = vector.broadcast %add3A_148 : i32 to vector<16xi32>
    %add3A_150 = arith.addi %add3A_149, %iota3A : vector<16xi32>
    %mul3A_151 = arith.constant 13 : i32
    %mul3A_152 = arith.muli %arg1, %mul3A_151 : i32
    %add3A_153 = vector.broadcast %mul3A_152 : i32 to vector<16xi32>
    %add3A_154 = arith.addi %add3A_150, %add3A_153 : vector<16xi32>
    %jit3A_155 = arith.constant 240 : i32
    %eq3A_156 = arith.constant 0 : i32
    %eq3A_157 = arith.cmpi eq, %jit3A_155, %eq3A_156 : i32
    %jit3A_158 = arith.constant 1 : i32
    %select_n3A_159 = arith.select %eq3A_157, %jit3A_158, %jit3A_155 : i32
    %rem3A_160 = vector.broadcast %select_n3A_159 : i32 to vector<16xi32>
    %rem3A_161 = arith.remsi %add3A_154, %rem3A_160 : vector<16xi32>
    %ne3A_162 = arith.constant 0 : i32
    %ne3A_163 = vector.broadcast %ne3A_162 : i32 to vector<16xi32>
    %ne3A_164 = arith.cmpi ne, %rem3A_161, %ne3A_163 : vector<16xi32>
    %lt3A_165 = arith.constant 0 : i32
    %lt3A_166 = vector.broadcast %lt3A_165 : i32 to vector<16xi32>
    %lt3A_167 = arith.cmpi slt, %rem3A_161, %lt3A_166 : vector<16xi32>
    %lt3A_168 = arith.constant 0 : i32
    %lt3A_169 = arith.cmpi slt, %select_n3A_159, %lt3A_168 : i32
    %ne3A_170 = vector.broadcast %lt3A_169 : i1 to vector<16xi1>
    %ne3A_171 = vector.broadcast %ne3A_170 : vector<16xi1> to vector<16xi1>
    %ne3A_172 = arith.xori %lt3A_167, %ne3A_171 : vector<16xi1>
    %and3A_173 = arith.andi %ne3A_172, %ne3A_164 : vector<16xi1>
    %add3A_174 = vector.broadcast %select_n3A_159 : i32 to vector<16xi32>
    %add3A_175 = arith.addi %rem3A_161, %add3A_174 : vector<16xi32>
    %select_n3A_176 = arith.select %and3A_173, %add3A_175, %rem3A_161 : vector<16xi1>, vector<16xi32>
    %add3A_177 = arith.constant 10000 : i32
    %add3A_178 = vector.broadcast %add3A_177 : i32 to vector<16xi32>
    %add3A_179 = arith.addi %add3A_178, %select_n3A_176 : vector<16xi32>
    %swap3A_180 = arith.constant 48 : index
    %swap3A_181 = tpu.vector_load %arg7[%swap3A_180] {strides = array<i32>} : memref<128xi32, #tpu.memory_space<vmem>>, vector<16xi32>,
    %swap3A_182 = vector.shape_cast %swap3A_181 : vector<16xi32> to vector<16xi32>
    %swap3A_183 = vector.shape_cast %add3A_179 : vector<16xi32> to vector<16xi32>
    tpu.vector_store %arg7[%swap3A_180], %swap3A_183 {strides = array<i32>} : memref<128xi32, #tpu.memory_space<vmem>>, vector<16xi32>,
    %add3A_184 = arith.constant 64 : i32
    %add3A_185 = vector.broadcast %add3A_184 : i32 to vector<16xi32>
    %add3A_186 = arith.addi %add3A_185, %iota3A : vector<16xi32>
    %mul3A_187 = arith.constant 13 : i32
    %mul3A_188 = arith.muli %arg1, %mul3A_187 : i32
    %add3A_189 = vector.broadcast %mul3A_188 : i32 to vector<16xi32>
    %add3A_190 = arith.addi %add3A_186, %add3A_189 : vector<16xi32>
    %jit3A_191 = arith.constant 240 : i32
    %eq3A_192 = arith.constant 0 : i32
    %eq3A_193 = arith.cmpi eq, %jit3A_191, %eq3A_192 : i32
    %jit3A_194 = arith.constant 1 : i32
    %select_n3A_195 = arith.select %eq3A_193, %jit3A_194, %jit3A_191 : i32
    %rem3A_196 = vector.broadcast %select_n3A_195 : i32 to vector<16xi32>
    %rem3A_197 = arith.remsi %add3A_190, %rem3A_196 : vector<16xi32>
    %ne3A_198 = arith.constant 0 : i32
    %ne3A_199 = vector.broadcast %ne3A_198 : i32 to vector<16xi32>
    %ne3A_200 = arith.cmpi ne, %rem3A_197, %ne3A_199 : vector<16xi32>
    %lt3A_201 = arith.constant 0 : i32
    %lt3A_202 = vector.broadcast %lt3A_201 : i32 to vector<16xi32>
    %lt3A_203 = arith.cmpi slt, %rem3A_197, %lt3A_202 : vector<16xi32>
    %lt3A_204 = arith.constant 0 : i32
    %lt3A_205 = arith.cmpi slt, %select_n3A_195, %lt3A_204 : i32
    %ne3A_206 = vector.broadcast %lt3A_205 : i1 to vector<16xi1>
    %ne3A_207 = vector.broadcast %ne3A_206 : vector<16xi1> to vector<16xi1>
    %ne3A_208 = arith.xori %lt3A_203, %ne3A_207 : vector<16xi1>
    %and3A_209 = arith.andi %ne3A_208, %ne3A_200 : vector<16xi1>
    %add3A_210 = vector.broadcast %select_n3A_195 : i32 to vector<16xi32>
    %add3A_211 = arith.addi %rem3A_197, %add3A_210 : vector<16xi32>
    %select_n3A_212 = arith.select %and3A_209, %add3A_211, %rem3A_197 : vector<16xi1>, vector<16xi32>
    %add3A_213 = arith.constant 10000 : i32
    %add3A_214 = vector.broadcast %add3A_213 : i32 to vector<16xi32>
    %add3A_215 = arith.addi %add3A_214, %select_n3A_212 : vector<16xi32>
    %swap3A_216 = arith.constant 64 : index
    %swap3A_217 = tpu.vector_load %arg7[%swap3A_216] {strides = array<i32>} : memref<128xi32, #tpu.memory_space<vmem>>, vector<16xi32>,
    %swap3A_218 = vector.shape_cast %swap3A_217 : vector<16xi32> to vector<16xi32>
    %swap3A_219 = vector.shape_cast %add3A_215 : vector<16xi32> to vector<16xi32>
    tpu.vector_store %arg7[%swap3A_216], %swap3A_219 {strides = array<i32>} : memref<128xi32, #tpu.memory_space<vmem>>, vector<16xi32>,
    %add3A_220 = arith.constant 80 : i32
    %add3A_221 = vector.broadcast %add3A_220 : i32 to vector<16xi32>
    %add3A_222 = arith.addi %add3A_221, %iota3A : vector<16xi32>
    %mul3A_223 = arith.constant 13 : i32
    %mul3A_224 = arith.muli %arg1, %mul3A_223 : i32
    %add3A_225 = vector.broadcast %mul3A_224 : i32 to vector<16xi32>
    %add3A_226 = arith.addi %add3A_222, %add3A_225 : vector<16xi32>
    %jit3A_227 = arith.constant 240 : i32
    %eq3A_228 = arith.constant 0 : i32
    %eq3A_229 = arith.cmpi eq, %jit3A_227, %eq3A_228 : i32
    %jit3A_230 = arith.constant 1 : i32
    %select_n3A_231 = arith.select %eq3A_229, %jit3A_230, %jit3A_227 : i32
    %rem3A_232 = vector.broadcast %select_n3A_231 : i32 to vector<16xi32>
    %rem3A_233 = arith.remsi %add3A_226, %rem3A_232 : vector<16xi32>
    %ne3A_234 = arith.constant 0 : i32
    %ne3A_235 = vector.broadcast %ne3A_234 : i32 to vector<16xi32>
    %ne3A_236 = arith.cmpi ne, %rem3A_233, %ne3A_235 : vector<16xi32>
    %lt3A_237 = arith.constant 0 : i32
    %lt3A_238 = vector.broadcast %lt3A_237 : i32 to vector<16xi32>
    %lt3A_239 = arith.cmpi slt, %rem3A_233, %lt3A_238 : vector<16xi32>
    %lt3A_240 = arith.constant 0 : i32
    %lt3A_241 = arith.cmpi slt, %select_n3A_231, %lt3A_240 : i32
    %ne3A_242 = vector.broadcast %lt3A_241 : i1 to vector<16xi1>
    %ne3A_243 = vector.broadcast %ne3A_242 : vector<16xi1> to vector<16xi1>
    %ne3A_244 = arith.xori %lt3A_239, %ne3A_243 : vector<16xi1>
    %and3A_245 = arith.andi %ne3A_244, %ne3A_236 : vector<16xi1>
    %add3A_246 = vector.broadcast %select_n3A_231 : i32 to vector<16xi32>
    %add3A_247 = arith.addi %rem3A_233, %add3A_246 : vector<16xi32>
    %select_n3A_248 = arith.select %and3A_245, %add3A_247, %rem3A_233 : vector<16xi1>, vector<16xi32>
    %add3A_249 = arith.constant 10000 : i32
    %add3A_250 = vector.broadcast %add3A_249 : i32 to vector<16xi32>
    %add3A_251 = arith.addi %add3A_250, %select_n3A_248 : vector<16xi32>
    %swap3A_252 = arith.constant 80 : index
    %swap3A_253 = tpu.vector_load %arg7[%swap3A_252] {strides = array<i32>} : memref<128xi32, #tpu.memory_space<vmem>>, vector<16xi32>,
    %swap3A_254 = vector.shape_cast %swap3A_253 : vector<16xi32> to vector<16xi32>
    %swap3A_255 = vector.shape_cast %add3A_251 : vector<16xi32> to vector<16xi32>
    tpu.vector_store %arg7[%swap3A_252], %swap3A_255 {strides = array<i32>} : memref<128xi32, #tpu.memory_space<vmem>>, vector<16xi32>,
    %add3A_256 = arith.constant 96 : i32
    %add3A_257 = vector.broadcast %add3A_256 : i32 to vector<16xi32>
    %add3A_258 = arith.addi %add3A_257, %iota3A : vector<16xi32>
    %mul3A_259 = arith.constant 13 : i32
    %mul3A_260 = arith.muli %arg1, %mul3A_259 : i32
    %add3A_261 = vector.broadcast %mul3A_260 : i32 to vector<16xi32>
    %add3A_262 = arith.addi %add3A_258, %add3A_261 : vector<16xi32>
    %jit3A_263 = arith.constant 240 : i32
    %eq3A_264 = arith.constant 0 : i32
    %eq3A_265 = arith.cmpi eq, %jit3A_263, %eq3A_264 : i32
    %jit3A_266 = arith.constant 1 : i32
    %select_n3A_267 = arith.select %eq3A_265, %jit3A_266, %jit3A_263 : i32
    %rem3A_268 = vector.broadcast %select_n3A_267 : i32 to vector<16xi32>
    %rem3A_269 = arith.remsi %add3A_262, %rem3A_268 : vector<16xi32>
    %ne3A_270 = arith.constant 0 : i32
    %ne3A_271 = vector.broadcast %ne3A_270 : i32 to vector<16xi32>
    %ne3A_272 = arith.cmpi ne, %rem3A_269, %ne3A_271 : vector<16xi32>
    %lt3A_273 = arith.constant 0 : i32
    %lt3A_274 = vector.broadcast %lt3A_273 : i32 to vector<16xi32>
    %lt3A_275 = arith.cmpi slt, %rem3A_269, %lt3A_274 : vector<16xi32>
    %lt3A_276 = arith.constant 0 : i32
    %lt3A_277 = arith.cmpi slt, %select_n3A_267, %lt3A_276 : i32
    %ne3A_278 = vector.broadcast %lt3A_277 : i1 to vector<16xi1>
    %ne3A_279 = vector.broadcast %ne3A_278 : vector<16xi1> to vector<16xi1>
    %ne3A_280 = arith.xori %lt3A_275, %ne3A_279 : vector<16xi1>
    %and3A_281 = arith.andi %ne3A_280, %ne3A_272 : vector<16xi1>
    %add3A_282 = vector.broadcast %select_n3A_267 : i32 to vector<16xi32>
    %add3A_283 = arith.addi %rem3A_269, %add3A_282 : vector<16xi32>
    %select_n3A_284 = arith.select %and3A_281, %add3A_283, %rem3A_269 : vector<16xi1>, vector<16xi32>
    %add3A_285 = arith.constant 10000 : i32
    %add3A_286 = vector.broadcast %add3A_285 : i32 to vector<16xi32>
    %add3A_287 = arith.addi %add3A_286, %select_n3A_284 : vector<16xi32>
    %swap3A_288 = arith.constant 96 : index
    %swap3A_289 = tpu.vector_load %arg7[%swap3A_288] {strides = array<i32>} : memref<128xi32, #tpu.memory_space<vmem>>, vector<16xi32>,
    %swap3A_290 = vector.shape_cast %swap3A_289 : vector<16xi32> to vector<16xi32>
    %swap3A_291 = vector.shape_cast %add3A_287 : vector<16xi32> to vector<16xi32>
    tpu.vector_store %arg7[%swap3A_288], %swap3A_291 {strides = array<i32>} : memref<128xi32, #tpu.memory_space<vmem>>, vector<16xi32>,
    %add3A_292 = arith.constant 112 : i32
    %add3A_293 = vector.broadcast %add3A_292 : i32 to vector<16xi32>
    %add3A_294 = arith.addi %add3A_293, %iota3A : vector<16xi32>
    %mul3A_295 = arith.constant 13 : i32
    %mul3A_296 = arith.muli %arg1, %mul3A_295 : i32
    %add3A_297 = vector.broadcast %mul3A_296 : i32 to vector<16xi32>
    %add3A_298 = arith.addi %add3A_294, %add3A_297 : vector<16xi32>
    %jit3A_299 = arith.constant 240 : i32
    %eq3A_300 = arith.constant 0 : i32
    %eq3A_301 = arith.cmpi eq, %jit3A_299, %eq3A_300 : i32
    %jit3A_302 = arith.constant 1 : i32
    %select_n3A_303 = arith.select %eq3A_301, %jit3A_302, %jit3A_299 : i32
    %rem3A_304 = vector.broadcast %select_n3A_303 : i32 to vector<16xi32>
    %rem3A_305 = arith.remsi %add3A_298, %rem3A_304 : vector<16xi32>
    %ne3A_306 = arith.constant 0 : i32
    %ne3A_307 = vector.broadcast %ne3A_306 : i32 to vector<16xi32>
    %ne3A_308 = arith.cmpi ne, %rem3A_305, %ne3A_307 : vector<16xi32>
    %lt3A_309 = arith.constant 0 : i32
    %lt3A_310 = vector.broadcast %lt3A_309 : i32 to vector<16xi32>
    %lt3A_311 = arith.cmpi slt, %rem3A_305, %lt3A_310 : vector<16xi32>
    %lt3A_312 = arith.constant 0 : i32
    %lt3A_313 = arith.cmpi slt, %select_n3A_303, %lt3A_312 : i32
    %ne3A_314 = vector.broadcast %lt3A_313 : i1 to vector<16xi1>
    %ne3A_315 = vector.broadcast %ne3A_314 : vector<16xi1> to vector<16xi1>
    %ne3A_316 = arith.xori %lt3A_311, %ne3A_315 : vector<16xi1>
    %and3A_317 = arith.andi %ne3A_316, %ne3A_308 : vector<16xi1>
    %add3A_318 = vector.broadcast %select_n3A_303 : i32 to vector<16xi32>
    %add3A_319 = arith.addi %rem3A_305, %add3A_318 : vector<16xi32>
    %select_n3A_320 = arith.select %and3A_317, %add3A_319, %rem3A_305 : vector<16xi1>, vector<16xi32>
    %add3A_321 = arith.constant 10000 : i32
    %add3A_322 = vector.broadcast %add3A_321 : i32 to vector<16xi32>
    %add3A_323 = arith.addi %add3A_322, %select_n3A_320 : vector<16xi32>
    %swap3A_324 = arith.constant 112 : index
    %swap3A_325 = tpu.vector_load %arg7[%swap3A_324] {strides = array<i32>} : memref<128xi32, #tpu.memory_space<vmem>>, vector<16xi32>,
    %swap3A_326 = vector.shape_cast %swap3A_325 : vector<16xi32> to vector<16xi32>
    %swap3A_327 = vector.shape_cast %add3A_323 : vector<16xi32> to vector<16xi32>
    tpu.vector_store %arg7[%swap3A_324], %swap3A_327 {strides = array<i32>} : memref<128xi32, #tpu.memory_space<vmem>>, vector<16xi32>,
    %mul3A_328 = arith.constant 640 : i32
    %mul3A_329 = arith.muli %arg1, %mul3A_328 : i32
    "tpu.region"() ({
      %run_scoped3A = tpu.sem_alloc : memref<!tpu.dma_semaphore, #tpu.memory_space<semaphore_mem>>
      %dma_start3A_351 = tpu.memref_slice %arg5[%mul3A_329] : memref<10240xf32, #tpu.memory_space<vmem_shared>> -> memref<640xf32, #tpu.memory_space<vmem_shared>>
      tpu.enqueue_dma source(%arg3 : memref<640xf32, #tpu.memory_space<hbm>>) target(%dma_start3A_351 : memref<640xf32, #tpu.memory_space<vmem_shared>>) target_semaphore(%run_scoped3A : memref<!tpu.dma_semaphore, #tpu.memory_space<semaphore_mem>>)
      %dma_wait3A = tpu.memref_slice %arg5[%mul3A_329] : memref<10240xf32, #tpu.memory_space<vmem_shared>> -> memref<640xf32, #tpu.memory_space<vmem_shared>>
      tpu.wait_dma2 semaphore(%run_scoped3A : memref<!tpu.dma_semaphore, #tpu.memory_space<semaphore_mem>>) src(%arg3 : memref<640xf32, #tpu.memory_space<hbm>>) dst(%dma_wait3A : memref<640xf32, #tpu.memory_space<vmem_shared>>)
      tpu.yield
    }) : () -> ()
    %mul3A_330 = arith.constant 10000 : i32
    %mul3A_331 = arith.muli %add3A, %mul3A_330 : i32
    "tpu.region"() ({
      %run_scoped3A = tpu.sem_alloc : memref<!tpu.dma_semaphore, #tpu.memory_space<semaphore_mem>>
      %dma_start3A_351 = tpu.memref_slice %arg2[%mul3A_331] : memref<640000xi32, #tpu.memory_space<hbm>> -> memref<9984xi32, #tpu.memory_space<hbm>>
      %dma_start3A_352 = tpu.memref_slice %arg2[%mul3A_331] : memref<640000xi32, #tpu.memory_space<hbm>> -> memref<9984xi32, #tpu.memory_space<hbm>>
      tpu.enqueue_dma source(%dma_start3A_352 : memref<9984xi32, #tpu.memory_space<hbm>>) target(%arg6 : memref<9984xi32, #tpu.memory_space<vmem>>) target_semaphore(%run_scoped3A : memref<!tpu.dma_semaphore, #tpu.memory_space<semaphore_mem>>)
      %dma_wait3A = tpu.memref_slice %arg2[%mul3A_331] : memref<640000xi32, #tpu.memory_space<hbm>> -> memref<9984xi32, #tpu.memory_space<hbm>>
      %dma_wait3A_353 = tpu.memref_slice %arg2[%mul3A_331] : memref<640000xi32, #tpu.memory_space<hbm>> -> memref<9984xi32, #tpu.memory_space<hbm>>
      tpu.wait_dma2 semaphore(%run_scoped3A : memref<!tpu.dma_semaphore, #tpu.memory_space<semaphore_mem>>) src(%dma_wait3A_353 : memref<9984xi32, #tpu.memory_space<hbm>>) dst(%arg6 : memref<9984xi32, #tpu.memory_space<vmem>>)
      tpu.yield
    }) : () -> ()
    %mul3A_332 = arith.constant 10000 : i32
    %mul3A_333 = arith.muli %add3A, %mul3A_332 : i32
    %add3A_334 = arith.constant 9984 : i32
    %add3A_335 = arith.addi %mul3A_333, %add3A_334 : i32
    "tpu.region"() ({
      %run_scoped3A = tpu.sem_alloc : memref<!tpu.dma_semaphore, #tpu.memory_space<semaphore_mem>>
      %dma_start3A_351 = arith.constant 0 : i32
      %dma_start3A_352 = tpu.memref_slice %arg7[%dma_start3A_351] : memref<128xi32, #tpu.memory_space<vmem>> -> memref<16xi32, #tpu.memory_space<vmem>>
      %dma_start3A_353 = tpu.memref_slice %arg2[%add3A_335] : memref<640000xi32, #tpu.memory_space<hbm>> -> memref<16xi32, #tpu.memory_space<hbm>>
      %dma_start3A_354 = arith.constant 0 : i32
      %dma_start3A_355 = tpu.memref_slice %arg7[%dma_start3A_354] : memref<128xi32, #tpu.memory_space<vmem>> -> memref<16xi32, #tpu.memory_space<vmem>>
      %dma_start3A_356 = tpu.memref_slice %arg2[%add3A_335] : memref<640000xi32, #tpu.memory_space<hbm>> -> memref<16xi32, #tpu.memory_space<hbm>>
      tpu.enqueue_dma source(%dma_start3A_356 : memref<16xi32, #tpu.memory_space<hbm>>) target(%dma_start3A_355 : memref<16xi32, #tpu.memory_space<vmem>>) target_semaphore(%run_scoped3A : memref<!tpu.dma_semaphore, #tpu.memory_space<semaphore_mem>>)
      %dma_wait3A = arith.constant 0 : i32
      %dma_wait3A_357 = tpu.memref_slice %arg7[%dma_wait3A] : memref<128xi32, #tpu.memory_space<vmem>> -> memref<16xi32, #tpu.memory_space<vmem>>
      %dma_wait3A_358 = tpu.memref_slice %arg2[%add3A_335] : memref<640000xi32, #tpu.memory_space<hbm>> -> memref<16xi32, #tpu.memory_space<hbm>>
      %dma_wait3A_359 = arith.constant 0 : i32
      %dma_wait3A_360 = tpu.memref_slice %arg7[%dma_wait3A_359] : memref<128xi32, #tpu.memory_space<vmem>> -> memref<16xi32, #tpu.memory_space<vmem>>
      %dma_wait3A_361 = tpu.memref_slice %arg2[%add3A_335] : memref<640000xi32, #tpu.memory_space<hbm>> -> memref<16xi32, #tpu.memory_space<hbm>>
      tpu.wait_dma2 semaphore(%run_scoped3A : memref<!tpu.dma_semaphore, #tpu.memory_space<semaphore_mem>>) src(%dma_wait3A_361 : memref<16xi32, #tpu.memory_space<hbm>>) dst(%dma_wait3A_360 : memref<16xi32, #tpu.memory_space<vmem>>)
      tpu.yield
    }) : () -> ()
    %barrier3A = arith.constant 0 : index
    tpu.barrier barrier_id(%barrier3A)
    %scan3A = arith.constant 0 : i32
    %scan3A_336 = arith.constant 78 : i32
    %scan3A_337 = arith.addi %scan3A, %scan3A_336 : i32
    %scan3A_338 = arith.constant 1 : i32
    scf.for %scan3A_351 = %scan3A to %scan3A_337 step %scan3A_338  : i32 {
      %mul3A_352 = arith.constant 1 : i32
      %mul3A_353 = arith.muli %scan3A_351, %mul3A_352 : i32
      %add3A_354 = arith.constant 0 : i32
      %add3A_355 = arith.addi %add3A_354, %mul3A_353 : i32
      %ge3A = arith.constant 4 : i32
      %ge3A_356 = arith.cmpi sge, %add3A_355, %ge3A : i32
      %convert_element_type3A = arith.extui %ge3A_356 : i1 to i32
      %cond3A = arith.constant 0 : i32
      %cond3A_357 = arith.cmpi ne, %convert_element_type3A, %cond3A : i32
      scf.if %cond3A_357 {
        %dma_wait3A = arith.constant 0 : i32
        %dma_wait3A_363 = tpu.memref_slice %arg6[%dma_wait3A] : memref<9984xi32, #tpu.memory_space<vmem>> -> memref<128xi32, #tpu.memory_space<vmem>>
        %dma_wait3A_364 = arith.constant 0 : i32
        %dma_wait3A_365 = tpu.memref_slice %arg5[%dma_wait3A_364] : memref<10240xf32, #tpu.memory_space<vmem_shared>> -> memref<10240xf32, #tpu.memory_space<vmem_shared>>
        tpu.wait_indirect_dma semaphore(%arg9 : memref<!tpu.dma_semaphore, #tpu.memory_space<semaphore_mem>>) src(%arg8 : memref<128xf32, #tpu.memory_space<vmem>>) dst(%dma_wait3A_365 : memref<10240xf32, #tpu.memory_space<vmem_shared>>)
      } else {
      }
      %mul3A_358 = arith.constant 128 : i32
      %mul3A_359 = arith.muli %add3A_355, %mul3A_358 : i32
      %dma_start3A_360 = tpu.memref_slice %arg6[%mul3A_359] : memref<9984xi32, #tpu.memory_space<vmem>> -> memref<128xi32, #tpu.memory_space<vmem>>
      %dma_start3A_361 = arith.constant 0 : i32
      %dma_start3A_362 = tpu.memref_slice %arg5[%dma_start3A_361] : memref<10240xf32, #tpu.memory_space<vmem_shared>> -> memref<10240xf32, #tpu.memory_space<vmem_shared>>
      tpu.enqueue_indirect_dma source(%arg8 : memref<128xf32, #tpu.memory_space<vmem>>) target(%dma_start3A_362 : memref<10240xf32, #tpu.memory_space<vmem_shared>>) offsets(%dma_start3A_360 : memref<128xi32, #tpu.memory_space<vmem>>) semaphore(%arg9 : memref<!tpu.dma_semaphore, #tpu.memory_space<semaphore_mem>>) {add = true}
    }
    %scan3A_339 = arith.constant 78 : i32
    %dma_start3A = arith.constant 0 : i32
    %dma_start3A_340 = tpu.memref_slice %arg5[%dma_start3A] : memref<10240xf32, #tpu.memory_space<vmem_shared>> -> memref<10240xf32, #tpu.memory_space<vmem_shared>>
    tpu.enqueue_indirect_dma source(%arg8 : memref<128xf32, #tpu.memory_space<vmem>>) target(%dma_start3A_340 : memref<10240xf32, #tpu.memory_space<vmem_shared>>) offsets(%arg7 : memref<128xi32, #tpu.memory_space<vmem>>) semaphore(%arg9 : memref<!tpu.dma_semaphore, #tpu.memory_space<semaphore_mem>>) {add = true}
    %scan3A_341 = arith.constant 0 : i32
    %scan3A_342 = arith.constant 5 : i32
    %scan3A_343 = arith.addi %scan3A_341, %scan3A_342 : i32
    %scan3A_344 = arith.constant 1 : i32
    scf.for %scan3A_351 = %scan3A_341 to %scan3A_343 step %scan3A_344  : i32 {
      %mul3A_352 = arith.constant 1 : i32
      %mul3A_353 = arith.muli %scan3A_351, %mul3A_352 : i32
      %add3A_354 = arith.constant 0 : i32
      %add3A_355 = arith.addi %add3A_354, %mul3A_353 : i32
      %dma_wait3A = arith.constant 0 : i32
      %dma_wait3A_356 = tpu.memref_slice %arg6[%dma_wait3A] : memref<9984xi32, #tpu.memory_space<vmem>> -> memref<128xi32, #tpu.memory_space<vmem>>
      %dma_wait3A_357 = arith.constant 0 : i32
      %dma_wait3A_358 = tpu.memref_slice %arg5[%dma_wait3A_357] : memref<10240xf32, #tpu.memory_space<vmem_shared>> -> memref<10240xf32, #tpu.memory_space<vmem_shared>>
      tpu.wait_indirect_dma semaphore(%arg9 : memref<!tpu.dma_semaphore, #tpu.memory_space<semaphore_mem>>) src(%arg8 : memref<128xf32, #tpu.memory_space<vmem>>) dst(%dma_wait3A_358 : memref<10240xf32, #tpu.memory_space<vmem_shared>>)
    }
    %scan3A_345 = arith.constant 5 : i32
    %barrier3A_346 = arith.constant 0 : index
    tpu.barrier barrier_id(%barrier3A_346)
    %mul3A_347 = arith.constant 640 : i32
    %mul3A_348 = arith.muli %arg1, %mul3A_347 : i32
    %mul3A_349 = arith.constant 640 : i32
    %mul3A_350 = arith.muli %arg1, %mul3A_349 : i32
    "tpu.region"() ({
      %run_scoped3A = tpu.sem_alloc : memref<!tpu.dma_semaphore, #tpu.memory_space<semaphore_mem>>
      %dma_start3A_351 = tpu.memref_slice %arg4[%arg0, %mul3A_350] : memref<2x10240xf32, #tpu.memory_space<hbm>> -> memref<1x640xf32, #tpu.memory_space<hbm>>
      %dma_start3A_352 = tpu.memref_squeeze %dma_start3A_351 : memref<1x640xf32, #tpu.memory_space<hbm>> -> memref<640xf32, #tpu.memory_space<hbm>>
      %dma_start3A_353 = tpu.memref_slice %arg5[%mul3A_348] : memref<10240xf32, #tpu.memory_space<vmem_shared>> -> memref<640xf32, #tpu.memory_space<vmem_shared>>
      tpu.enqueue_dma source(%dma_start3A_353 : memref<640xf32, #tpu.memory_space<vmem_shared>>) target(%dma_start3A_352 : memref<640xf32, #tpu.memory_space<hbm>>) target_semaphore(%run_scoped3A : memref<!tpu.dma_semaphore, #tpu.memory_space<semaphore_mem>>)
      %dma_wait3A = tpu.memref_slice %arg4[%arg0, %mul3A_350] : memref<2x10240xf32, #tpu.memory_space<hbm>> -> memref<1x640xf32, #tpu.memory_space<hbm>>
      %dma_wait3A_354 = tpu.memref_squeeze %dma_wait3A : memref<1x640xf32, #tpu.memory_space<hbm>> -> memref<640xf32, #tpu.memory_space<hbm>>
      %dma_wait3A_355 = tpu.memref_slice %arg5[%mul3A_348] : memref<10240xf32, #tpu.memory_space<vmem_shared>> -> memref<640xf32, #tpu.memory_space<vmem_shared>>
      tpu.wait_dma2 semaphore(%run_scoped3A : memref<!tpu.dma_semaphore, #tpu.memory_space<semaphore_mem>>) src(%dma_wait3A_355 : memref<640xf32, #tpu.memory_space<vmem_shared>>) dst(%dma_wait3A_354 : memref<640xf32, #tpu.memory_space<hbm>>)
      tpu.yield
    }) : () -> ()
    return
  }
}

module attributes {stable_mosaic.version = 14 : i64} {
  func.func @_tc_prescale_body(%arg0: memref<10000x128xf32, #tpu.memory_space<vmem>>, %arg1: memref<2x10240xf32, #tpu.memory_space<vmem>>, %arg2: memref<10000x128xf32, #tpu.memory_space<vmem>>) attributes {dimension_semantics = [], scalar_prefetch = 0 : i64, scratch_operands = 0 : i64, tpu.core_type = #tpu.core_type<tc>} {
    %get3A = arith.constant 0 : index
    %get3A_0 = arith.constant 0 : index
    %get3A_1 = vector.load %arg1[%get3A, %get3A_0] : memref<2x10240xf32, #tpu.memory_space<vmem>>, vector<1x10240xf32>
    %get3A_2 = arith.constant 1 : index
    %get3A_3 = arith.constant 0 : index
    %get3A_4 = vector.load %arg1[%get3A_2, %get3A_3] : memref<2x10240xf32, #tpu.memory_space<vmem>>, vector<1x10240xf32>
    %add3A = arith.addf %get3A_1, %get3A_4 : vector<1x10240xf32>
    %add3A_5 = arith.constant 1.000000e+00 : f32
    %add3A_6 = vector.broadcast %add3A_5 : f32 to vector<1x10240xf32>
    %add3A_7 = arith.addf %add3A, %add3A_6 : vector<1x10240xf32>
    %broadcast_in_dim3A = arith.constant 1.000000e+00 : f32
    %broadcast_in_dim3A_8 = vector.broadcast %broadcast_in_dim3A : f32 to vector<1x128xf32>
    %dot_general3A = arith.constant dense<0.000000e+00> : vector<10240x128xf32>
    %dot_general3A_9 = tpu.matmul %add3A_7, %broadcast_in_dim3A_8, %dot_general3A {dimension_numbers = #tpu.dot_dimension_numbers<[0], [0], [1], [1], [0, 1, 1, 1], [], []>, transpose_lhs_hint = false} : vector<1x10240xf32>, vector<1x128xf32>, vector<10240x128xf32> -> vector<10240x128xf32>
    %slice3A = vector.extract_strided_slice %dot_general3A_9 {offsets = [0, 0], sizes = [10000, 128], strides = [1, 1]} : vector<10240x128xf32> to vector<10000x128xf32>
    %get3A_10 = arith.constant 0 : index
    %get3A_11 = arith.constant 0 : index
    %get3A_12 = vector.load %arg0[%get3A_10, %get3A_11] : memref<10000x128xf32, #tpu.memory_space<vmem>>, vector<10000x128xf32>
    %rsqrt3A = math.rsqrt %slice3A : vector<10000x128xf32>
    %mul3A = arith.mulf %get3A_12, %rsqrt3A : vector<10000x128xf32>
    %swap3A = arith.constant 0 : index
    %swap3A_13 = arith.constant 0 : index
    %swap3A_14 = vector.load %arg2[%swap3A, %swap3A_13] : memref<10000x128xf32, #tpu.memory_space<vmem>>, vector<10000x128xf32>
    tpu.vector_store %arg2[%swap3A, %swap3A_13], %mul3A {strides = array<i32>} : memref<10000x128xf32, #tpu.memory_space<vmem>>, vector<10000x128xf32>,
    return
  }
}

module attributes {stable_mosaic.version = 14 : i64} {
  func.func @_tc_combine_body(%arg0: memref<10000x128xf32, #tpu.memory_space<vmem>>, %arg1: memref<2x10240xf32, #tpu.memory_space<vmem>>, %arg2: memref<2x10240x128xf32, #tpu.memory_space<vmem>>, %arg3: memref<10000x256xf32, #tpu.memory_space<vmem>>) attributes {dimension_semantics = [], scalar_prefetch = 0 : i64, scratch_operands = 0 : i64, tpu.core_type = #tpu.core_type<tc>} {
    %get3A = arith.constant 0 : index
    %get3A_0 = arith.constant 0 : index
    %get3A_1 = vector.load %arg1[%get3A, %get3A_0] : memref<2x10240xf32, #tpu.memory_space<vmem>>, vector<1x10240xf32>
    %get3A_2 = arith.constant 1 : index
    %get3A_3 = arith.constant 0 : index
    %get3A_4 = vector.load %arg1[%get3A_2, %get3A_3] : memref<2x10240xf32, #tpu.memory_space<vmem>>, vector<1x10240xf32>
    %add3A = arith.addf %get3A_1, %get3A_4 : vector<1x10240xf32>
    %add3A_5 = arith.constant 1.000000e+00 : f32
    %add3A_6 = vector.broadcast %add3A_5 : f32 to vector<1x10240xf32>
    %add3A_7 = arith.addf %add3A, %add3A_6 : vector<1x10240xf32>
    %broadcast_in_dim3A = arith.constant 1.000000e+00 : f32
    %broadcast_in_dim3A_8 = vector.broadcast %broadcast_in_dim3A : f32 to vector<1x128xf32>
    %dot_general3A = arith.constant dense<0.000000e+00> : vector<10240x128xf32>
    %dot_general3A_9 = tpu.matmul %add3A_7, %broadcast_in_dim3A_8, %dot_general3A {dimension_numbers = #tpu.dot_dimension_numbers<[0], [0], [1], [1], [0, 1, 1, 1], [], []>, transpose_lhs_hint = false} : vector<1x10240xf32>, vector<1x128xf32>, vector<10240x128xf32> -> vector<10240x128xf32>
    %slice3A = vector.extract_strided_slice %dot_general3A_9 {offsets = [0, 0], sizes = [10000, 128], strides = [1, 1]} : vector<10240x128xf32> to vector<10000x128xf32>
    %get3A_10 = arith.constant 0 : index
    %get3A_11 = arith.constant 0 : index
    %get3A_12 = arith.constant 0 : index
    %get3A_13 = vector.load %arg2[%get3A_10, %get3A_11, %get3A_12] : memref<2x10240x128xf32, #tpu.memory_space<vmem>>, vector<1x10000x128xf32>
    %get3A_14 = vector.shape_cast %get3A_13 : vector<1x10000x128xf32> to vector<10000x128xf32>
    %get3A_15 = arith.constant 1 : index
    %get3A_16 = arith.constant 0 : index
    %get3A_17 = arith.constant 0 : index
    %get3A_18 = vector.load %arg2[%get3A_15, %get3A_16, %get3A_17] : memref<2x10240x128xf32, #tpu.memory_space<vmem>>, vector<1x10000x128xf32>
    %get3A_19 = vector.shape_cast %get3A_18 : vector<1x10000x128xf32> to vector<10000x128xf32>
    %add3A_20 = arith.addf %get3A_14, %get3A_19 : vector<10000x128xf32>
    %get3A_21 = arith.constant 0 : index
    %get3A_22 = arith.constant 0 : index
    %get3A_23 = vector.load %arg0[%get3A_21, %get3A_22] : memref<10000x128xf32, #tpu.memory_space<vmem>>, vector<10000x128xf32>
    %swap3A = arith.constant 0 : index
    %swap3A_24 = arith.constant 0 : index
    %swap3A_25 = vector.load %arg3[%swap3A, %swap3A_24] : memref<10000x256xf32, #tpu.memory_space<vmem>>, vector<10000x128xf32>
    tpu.vector_store %arg3[%swap3A, %swap3A_24], %get3A_23 {strides = array<i32>} : memref<10000x256xf32, #tpu.memory_space<vmem>>, vector<10000x128xf32>,
    %rsqrt3A = math.rsqrt %slice3A : vector<10000x128xf32>
    %mul3A = arith.mulf %add3A_20, %rsqrt3A : vector<10000x128xf32>
    %div3A = arith.divf %get3A_23, %slice3A : vector<10000x128xf32>
    %add3A_26 = arith.addf %mul3A, %div3A : vector<10000x128xf32>
    %swap3A_27 = arith.constant 0 : index
    %swap3A_28 = arith.constant 128 : index
    %swap3A_29 = vector.load %arg3[%swap3A_27, %swap3A_28] : memref<10000x256xf32, #tpu.memory_space<vmem>>, vector<10000x128xf32>
    tpu.vector_store %arg3[%swap3A_27, %swap3A_28], %add3A_26 {strides = array<i32>} : memref<10000x256xf32, #tpu.memory_space<vmem>>, vector<10000x128xf32>,
    return
  }
}

</mosaic_0001>

<sc_bundles>
// kernel: kernel.6.cloned.1.call-start
scs
__scs_entry_jumppad:
0x0: {  	(pc) =	sbr.rel $0x88, $3  }
0x1: {  	(tag) =	ssettag $0x0;
	lr =	simm.s32 $0x1  }
0x2: {  	[smem:$0x3F9F] =	sst lr;
	_ =	strace $0xD0000000  }
0x3: {  	_ = 	snop  }
0x4: {  	_ = 	snop  }
0x5: {  	_ = 	snop  }
0x6: {  	_ = 	snop  }
0x7: {  	_ = 	snop  }
__scs_overlays_trampoline_lowered:
0x8: {  	[smem:$0x3FAE] =	sst s0  }
0x9: {  	[smem:$0x3FAF] =	sst s1  }
0xa: {  	[smem:$0x3FB0] =	sst s2  }
0xb: {  	[smem:$0x3FB1] =	sst s3  }
0xc: {  	[smem:$0x3FB2] =	sst s4  }
0xd: {  	[smem:$0x3FB3] =	sst s5  }
0xe: {  	[smem:$0x3FB4] =	sst s6  }
0xf: {  	[smem:$0x3FB5] =	sst s7  }
0x10: {  	[smem:$0x3FB6] =	sst s8  }
0x11: {  	[smem:$0x3FB7] =	sst s9;
	s0 =	simm.s32 @!p0 $0x0  }
0x12: {  	s1 =	sld [smem:$0x3F9D];
	s0 =	simm.s32 @p0 $0x1  }
0x13: {  	[smem:$0x3FB8] =	sst s0;
	s0 =	simm.s32 @!p1 $0x0  }
0x14: {  	s2 =	sld [smem:$0x3F9C];
	s0 =	simm.s32 @p1 $0x1  }
0x15: {  	[smem:$0x3FB9] =	sst s0;
	s0 =	simm.s32 @!p2 $0x0  }
0x16: {  	s3 =	sld [smem:$0x3FDB];
	s0 =	simm.s32 @p2 $0x1  }
0x17: {  	s4 =	simm.s32 $0x1BF5;
	[smem:$0x3FBB] =	sst s0  }
0x18: {  	s0 =	sld [smem:$0x3F9E];
	_ =	swait.ge [sflag:s4], $0x0  }
0x19: {  	s7 =	sld [smem:$0x3F9F]  }
0x1a: {  	s8 =	sadd.s32 $0xFFFFE003, lr  }
0x1b: {  	s9 =	sadd.s32 $0xFFFFFEF7, lr;
	s5 =	simm.s32 $0xFFFFFFFF;
	p2 =	slt.u32 s8, $0xFFFFF086  }
0x1c: {  	p1 =	slt.u32 s9, $0xF7A;
	s5 =	simm.s32 @!p2 $0x0  }
0x1d: {  	s5 =	simm.s32 @p1 $0x1;
	p0 =	seq.s32 s7, s2  }
0x1e: {  	s7 =	smul.u32 @!p0 $0xF7A, s2;
	p2 =	seq.s32 @!p0 s5, $0x0  }
0x1f: {  	s9 =	smul.u32 $0xF7A, s1;
	s8 =	simm.s32 @!p0 $0x1BF5;
	p2 =	por !p2, p0  }
0x20: {  	[sflag:s8] =	ssyncset.s32 @!p0 $0xFFFFF086;
	s6 =	sadd.s32 @!p0 s3, s7;
	s7 =	simm.s32 @!p0 $0x108  }
0x21: {  	s3 =	sadd.s32 s3, s9;
	s6 =	sadd.s32 @!p0 $0x88, s6;
	s7 =	simm.s32 @p2 $0x1082  }
0x22: {  	[simem:s7], [sflag:s8] =	dma.local @!p0 [hbm:s6], $0xF7A  }
0x23: {  	s9 =	sor.u32 $0xD0000000, s2;
	s6 =	simm.s32 $0x108;
	_ =	swait.ge @!p0 [sflag:s8], $0x0  }
0x24: {  	s3 =	sadd.s32 $0x88, s3;
	s6 =	simm.s32 @!p1 $0x1082;
	[sflag:s4] =	ssyncset.s32 $0xFFFFF086  }
0x25: {  	[simem:s6], [sflag:s4] =	dma.local [hbm:s3], $0xF7A  }
0x26: {  	[smem:$0x3F9F] =	sst s1;
	(tag) =	ssettag s2;
	_ =	strace s9  }
0x27: {  	s1 =	sld [smem:$0x3FAF]  }
0x28: {  	s2 =	sld [smem:$0x3FB0]  }
0x29: {  	s4 =	sld [smem:$0x3FB2]  }
0x2a: {  	p0 =	seq.s32 s5, $0x0;
	s5 =	sld [smem:$0x3FB3]  }
0x2b: {  	s6 =	sld [smem:$0x3FB4]  }
0x2c: {  	s7 =	sld [smem:$0x3FB5]  }
0x2d: {  	s3 =	simm.s32 $0x108;
	s8 =	sld [smem:$0x3FB6]  }
0x2e: {  	s3 =	simm.s32 @!p0 $0x1082;
	s9 =	sld [smem:$0x3FB7]  }
0x2f: {  	lr =	sadd.s32 s0, s3;
	s0 =	sld [smem:$0x3FAE]  }
0x30: {  	s3 =	sld [smem:$0x3FB1]  }
0x31: {  	[smem:$0x3FBA] =	sst s10  }
0x32: {  	s10 =	sld [smem:$0x3FB8];
	_ =	sdelay $0x3  }
0x33: {  	p0 =	seq.s32 s10, $0x1;
	s10 =	sld [smem:$0x3FBA];
	_ =	sdelay $0x3  }
0x34: {  	[smem:$0x3FBA] =	sst s10  }
0x35: {  	s10 =	sld [smem:$0x3FB9];
	_ =	sdelay $0x3  }
0x36: {  	p1 =	seq.s32 s10, $0x1;
	s10 =	sld [smem:$0x3FBA];
	_ =	sdelay $0x3  }
0x37: {  	[smem:$0x3FBA] =	sst s10  }
0x38: {  	s10 =	sld [smem:$0x3FBB]  }
0x39: {  	_ = 	snop;
	(pc) =	sbr.ind lr, $3  }
0x3a: {  	_ = 	snop  }
0x3b: {  	_ = 	snop  }
0x3c: {  	p2 =	seq.s32 s10, $0x1;
	s10 =	sld [smem:$0x3FBA]  }
0x3d: {  	_ =	shalt  }
0x3e: {  	_ =	shalt  }
0x3f: {  	_ =	shalt  }
0x40: {  	_ =	shalt  }
0x41: {  	_ =	shalt  }
0x42: {  	_ =	shalt  }
0x43: {  	_ =	shalt  }
0x44: {  	_ =	shalt  }
0x45: {  	_ =	shalt  }
0x46: {  	_ =	shalt  }
0x47: {  	_ =	shalt  }
0x48: {  	_ =	shalt  }
0x49: {  	_ =	shalt  }
0x4a: {  	_ =	shalt  }
0x4b: {  	_ =	shalt  }
0x4c: {  	_ =	shalt  }
0x4d: {  	_ =	shalt  }
0x4e: {  	_ =	shalt  }
0x4f: {  	_ =	shalt  }
0x50: {  	_ =	shalt  }
0x51: {  	_ =	shalt  }
0x52: {  	_ =	shalt  }
0x53: {  	_ =	shalt  }
0x54: {  	_ =	shalt  }
0x55: {  	_ =	shalt  }
0x56: {  	_ =	shalt  }
0x57: {  	_ =	shalt  }
0x58: {  	_ =	shalt  }
0x59: {  	_ =	shalt  }
0x5a: {  	_ =	shalt  }
0x5b: {  	_ =	shalt  }
0x5c: {  	_ =	shalt  }
0x5d: {  	_ =	shalt  }
0x5e: {  	_ =	shalt  }
0x5f: {  	_ =	shalt  }
0x60: {  	_ =	shalt  }
0x61: {  	_ =	shalt  }
0x62: {  	_ =	shalt  }
0x63: {  	_ =	shalt  }
0x64: {  	_ =	shalt  }
0x65: {  	_ =	shalt  }
0x66: {  	_ =	shalt  }
0x67: {  	_ =	shalt  }
0x68: {  	_ =	shalt  }
0x69: {  	_ =	shalt  }
0x6a: {  	_ =	shalt  }
0x6b: {  	_ =	shalt  }
0x6c: {  	_ =	shalt  }
0x6d: {  	_ =	shalt  }
0x6e: {  	_ =	shalt  }
0x6f: {  	_ =	shalt  }
0x70: {  	_ =	shalt  }
0x71: {  	_ =	shalt  }
0x72: {  	_ =	shalt  }
0x73: {  	_ =	shalt  }
0x74: {  	_ =	shalt  }
0x75: {  	_ =	shalt  }
0x76: {  	_ =	shalt  }
0x77: {  	_ =	shalt  }
0x78: {  	_ =	shalt  }
0x79: {  	_ =	shalt  }
0x7a: {  	_ =	shalt  }
0x7b: {  	_ =	shalt  }
0x7c: {  	_ =	shalt  }
0x7d: {  	_ =	shalt  }
0x7e: {  	_ =	shalt  }
0x7f: {  	_ =	shalt  }
0x80: {  	_ =	shalt  }
0x81: {  	_ =	shalt  }
0x82: {  	_ =	shalt  }
0x83: {  	_ =	shalt  }
0x84: {  	_ =	shalt  }
0x85: {  	_ =	shalt  }
0x86: {  	_ =	shalt  }
0x87: {  	_ =	shalt  }
.Lfunc_end0:
.L_simem_size_0:
called_computation_lowered:
.L_overlay_start_0:
0x88: {  	s2 =	sld [smem:$0x3FD9]  }
0x89: {  	s3 =	sld [smem:$0x3FFE];
	_ =	sdelay $0x1  }
0x8a: {  	s1 =	srdreg.scid  }
0x8b: {  	s0 =	sand.u32 $0x1, s1  }
0x8c: {  	s17 =	sshll.u32 s0, $0xA;
	s2 =	sadd.s32 s3, s2  }
0x8d: {  	s2 =	sadd.s32 s2, s17  }
0x8e: {  	[smem:$0x3FC6] =	sst s2  }
0x8f: {  	_ = 	snop  }
0x90: {  	s2 =	sld [smem:$0x3FD0];
	(tm) =	ssettm $0x1  }
0x91: {  	s18 =	sld [smem:$0x3FFB];
	_ =	sdelay $0x3  }
0x92: {  	_ =	strace s18  }
0x93: {  	s3 =	sld [smem:$0x3FFC];
	_ =	sdelay $0x3  }
0x94: {  	_ =	strace s3  }
0x95: {  	s3 =	sld [smem:$0x3FFD];
	_ =	sdelay $0x3  }
0x96: {  	_ =	strace s3  }
0x97: {  	_ =	strace $0x8FFFFFFF  }
0x98: {  	s19 =	sld [smem:$0x3FDB];
	_ =	sdelay $0x1  }
0x99: {  	s4 =	simm.s32 $_scs_section_size  }
0x9a: {  	s5 =	simm.s32 $_size__tile_overlayer_lowered;
	s6 =	simm.s32 $_tile_overlayer_lowered  }
0x9b: {  	s22 =	simm.s32 $0x1BFF;
	s21 =	sshll.u32 s6, $0x1;
	s3 =	sadd.s32 s4, s19  }
0x9c: {  	s7 =	simm.s32 $0x0;
	s20 =	sshll.u32 s5, $0x1;
	s5 =	sadd.s32 s21, s3  }
0x9d: {  	[timem:s7], [sflag:s22] =	dma.local [hbm:s5], s20  }
0x9e: {  	_ =	swait.ge [sflag:s22], s20  }
0x9f: {  	s4 =	ssub.s32 $0x0, s20;
	[sflag:s22] =	ssyncset.done $0x0  }
0xa0: {  	[sflag:s22] =	ssyncadd.s32 s4;
	_ =	sdelay $0x1  }
0xa1: {  	s23 =	simm.s32 $0x1B8B  }
0xa2: {  	_ =	swait.ge [sflag:s23], $0x1  }
0xa3: {  	[sflag:s23] =	ssyncset.done $0x0  }
0xa4: {  	s25 =	simm.s32 $0x1B8E;
	s24 =	sld [smem:$0x3FFE];
	[sflag:s23] =	ssyncadd.s32 $0xFFFFFFFF  }
0xa5: {  	s26 =	simm.s32 $execute0_lowered;
	[smem:$0x3FD2] =	sst s25  }
0xa6: {  	s5 =	sshll.u32 s26, $0x1;
	_ =	strace $0x80000046;
	[dreg:$0x1] =	wrdreg $0xFFFFFFFF  }
0xa7: {  	s28 =	simm.s32 $_size_execute0_lowered;
	s3 =	sadd.s32 s3, s5;
	[dreg:$0x0] =	wrdreg $0x0  }
0xa8: {  	s5 =	sshll.u32 s28, $0x1;
	[dreg:$0x2] =	wrdreg s3  }
0xa9: {  	[dreg:$0x3] =	wrdreg s5  }
0xaa: {  	[dreg:$0x4] =	wrdreg $0xC0  }
0xab: {  	_ =	task [dreg:s7], $0x5FFFF  }
0xac: {  	[dreg:$0x1] =	wrdreg $0xFFFFFFFF  }
0xad: {  	[dreg:$0x0] =	wrdreg $0x60  }
0xae: {  	[dreg:$0x2] =	wrdreg s2  }
0xaf: {  	[dreg:$0x3] =	wrdreg s24  }
0xb0: {  	[dreg:$0x4] =	wrdreg $0x0  }
0xb1: {  	[dreg:$0x5] =	wrdreg $0x9  }
0xb2: {  	_ =	task.clear_ibuf [dreg:s7], $0x6FFFF;
	_ =	strace $0x90000046  }
0xb3: {  	s29 =	simm.s32 $0x9;
	_ =	strace $0x80000048  }
0xb4: {  	_ =	swait.ge [sflag:s29], $0x1  }
0xb5: {  	[sflag:s29] =	ssyncadd.s32 $0xFFFFFFFF  }
0xb6: {  	_ =	strace $0x90000048  }
0xb7: {  	_ =	sfence  }
0xb8: {  	s30 =	sld [smem:$0x0];
	_ =	sdelay $0x2  }
0xb9: {  	s31 =	sshll.u32 s1, $0xD;
	s1 =	sshrl.u32 s1, $0x2  }
0xba: {  	s3 =	sand.u32 $0x4000, s31;
	s1 =	sadd.s32 s1, s30  }
0xbb: {  	s0 =	sor.u32 s3, s0;
	s1 =	sshll.u32 s1, $0x11  }
0xbc: {  	s0 =	sor.u32 s1, s0  }
0xbd: {  	s0 =	sadd.s32 $0x8F2B, s0  }
0xbe: {  	[sflag:s0] =	ssyncadd.remote.s32 $0x1  }
0xbf: {  	_ =	sfence.sel $0xFFFF  }
0xc0: {  	[dreg:$0x0] =	wrdreg $0xFFFFFFFF;
	(pc) =	sbr.abs _section_cstart, $3  }
0xc1: {  	[dreg:$0x1] =	wrdreg $0xFFFFFFFF  }
0xc2: {  	_ =	task.clear_ibuf [dreg:s7], $0x2FFFF;
	_ =	strace $0x9FFFFFFF  }
0xc3: {  	(tm) =	ssettm $0x7FFFFFFF  }
tec
execute0_lowered:
.L_overlay_start_1:
0x0: {  	(tag) =	ssettag $0x1  }
0x1: {  	s0 =	stileid.u32  }
0x2: {  	s5 =	smul.u32 $0xD, s0  }
0x3: {  	v0 =	vlaneseq.u32  }
0x4: {  	s6 =	rddreg [dreg:$0x0];
	v2 =	vor.u32 $0x10, v0;
	v6 =	vor.u32 $0x40, v0;
	v1 =	vadd.s32 s5, v0  }
0x5: {  	s7 =	rddreg [dreg:$0x1];
	v8 =	vor.u32 $0x50, v0;
	v2 =	vadd.s32 s5, v2;
	v3 =	vmulhi.u32 $0x1111112, v1  }
0x6: {  	s2 =	rddreg [dreg:$0x2];
	v10 =	vor.u32 $0x60, v0;
	v6 =	vadd.s32 s5, v6;
	v4 =	vmulhi.u32 $0x1111112, v2  }
0x7: {  	s1 =	rddreg [dreg:$0x3];
	s3 =	simm.s32 $0x0;
	v8 =	vadd.s32 s5, v8;
	v9 =	vmulhi.u32 $0x1111112, v6;
	v3 =	vmul.u32 $0xF0, v3  }
0x8: {  	s4 =	srdreg.scid;
	s13 =	simm.s32 $0x2980;
	s15 =	simm.s32 $0x2A00;
	v10 =	vadd.s32 s5, v10;
	v11 =	vmulhi.u32 $0x1111112, v8;
	v4 =	vmul.u32 $0xF0, v4  }
0x9: {  	s14 =	simm.s32 $0x80;
	s16 =	simm.s32 $0x300;
	s17 =	simm.s32 $0x380;
	v12 =	vmulhi.u32 $0x1111112, v10;
	v1 =	vsub.s32 v1, v3;
	v3 =	vor.u32 $0x20, v0  }
0xa: {  	s18 =	simm.s32 $0x400;
	s19 =	simm.s32 $0x1;
	s20 =	simm.s32 $0x20;
	v2 =	vsub.s32 v2, v4;
	v4 =	vor.u32 $0x30, v0;
	v3 =	vadd.s32 s5, v3  }
0xb: {  	s21 =	simm.s32 $0x10;
	s22 =	simm.s32 $0x0;
	[smem:$0x7FF] =	sst s3;
	v4 =	vadd.s32 s5, v4;
	v5 =	vmulhi.u32 $0x1111112, v3  }
0xc: {  	s8 =	sand.u32 $0x1, s4;
	s9 =	smul.u32 $0x500, s0;
	s4 =	sadd.s32 $0x1000, s7;
	v7 =	vmulhi.u32 $0x1111112, v4  }
0xd: {  	s12 =	smul.u32 $0xA00, s0;
	s31 =	sshll.u32 s0, $0x6;
	_ =	strace $0x80000047;
	v9 =	vmul.u32 $0xF0, v9;
	v0 =	vor.u32 $0x70, v0;
	v5 =	vmul.u32 $0xF0, v5  }
0xe: {  	s10 =	sshll.u32 s8, $0x4;
	s11 =	sshll.u32 s8, $0x7;
	s8 =	ssub.s32 $0x2, s8;
	v11 =	vmul.u32 $0xF0, v11;
	v13 =	vadd.s32 s5, v0;
	v7 =	vmul.u32 $0xF0, v7  }
0xf: {  	s10 =	sor.u32 s0, s10;
	s9 =	sor.u32 s11, s9;
	s28 =	sshrl.u32 s8, $0x1;
	v0 =	vmul.u32 $0xF0, v12;
	v3 =	vsub.s32 v3, v5;
	v5 =	vmulhi.u32 $0x1111112, v13  }
0x10: {  	s30 =	sshrl.u32 s12, $0x2;
	s10 =	smul.u32 $0x2710, s10;
	s9 =	sshrl.u32 s9, $0x3;
	v6 =	vsub.s32 v6, v9;
	v4 =	vsub.s32 v4, v7;
	v7 =	vsub.s32 v8, v11  }
0x11: {  	s11 =	ssub.s32 s8, s28;
	s12 =	sadd.s32 s30, s2;
	s9 =	sadd.s32 s9, s7;
	v8 =	vsub.s32 v10, v0;
	v0 =	vadd.s32 $0x2710, v1;
	v9 =	vmul.u32 $0xF0, v5  }
0x12: {  	s29 =	sshrl.u32 s10, $0x3;
	s8 =	sadd.s32 $0x1200, s9;
	s9 =	smax.u32 s11, $0x1;
	v1 =	vadd.s32 $0x2710, v2;
	v2 =	vadd.s32 $0x2710, v3;
	v3 =	vadd.s32 $0x2710, v4  }
0x13: {  	s10 =	sshrl.u32 s12, $0x3;
	s11 =	simm.s32 $0x2;
	s5 =	sadd.s32 s6, s29;
	v4 =	vadd.s32 $0x2710, v6;
	v5 =	vadd.s32 $0x2710, v7;
	v7 =	vsub.s32 v13, v9  }
0x14: {  	s12 =	simm.s32 $0x280;
	s6 =	sor.u32 $0x1C02, s31;
	s7 =	sadd.s32 $0x4E0, s5;
	v6 =	vadd.s32 $0x2710, v8;
	v8 =	vimm.f32 $1.000000000e+00;
	v7 =	vadd.s32 $0x2710, v7  }
.LBB2_1:
0x15: {  	[tilespmem:$0x2A00] =	vst v8  }
0x16: {  	[tilespmem:$0x2A10] =	vst v8  }
0x17: {  	[tilespmem:$0x2A20] =	vst v8  }
0x18: {  	[tilespmem:$0x2A30] =	vst v8  }
0x19: {  	[tilespmem:$0x2A40] =	vst v8  }
0x1a: {  	[tilespmem:$0x2A50] =	vst v8  }
0x1b: {  	[tilespmem:$0x2A60] =	vst v8  }
0x1c: {  	[tilespmem:$0x2A70] =	vst v8  }
0x1d: {  	[tilespmem:$0x2980] =	vst v0  }
0x1e: {  	[tilespmem:$0x2990] =	vst v1  }
0x1f: {  	[tilespmem:$0x29A0] =	vst v2  }
0x20: {  	[tilespmem:$0x29B0] =	vst v3  }
0x21: {  	[tilespmem:$0x29C0] =	vst v4  }
0x22: {  	[tilespmem:$0x29D0] =	vst v5  }
0x23: {  	[tilespmem:$0x29E0] =	vst v6  }
0x24: {  	[tilespmem:$0x29F0] =	vst v7  }
0x25: {  	[spmem:s10], [sflag:s6] =	dma.local [hbm:s4], $0x50  }
0x26: {  	_ =	swait.ge [sflag:s11], $0x50  }
0x27: {  	[sflag:s11] =	ssyncset.done $0x0  }
0x28: {  	[sflag:s11] =	ssyncadd.s32 $0xFFFFFFB0  }
0x29: {  	[tilespmem:s12], [sflag:$0x2] =	stream.linear.gather [hbm4b:s5+s3], $0x2700, $0x38;
	[tilespmem:$0x2A80] =	vst v63  }
0x2a: {  	_ =	swait.ge [sflag:s11], $0x2700  }
0x2b: {  	[sflag:s11] =	ssyncset.done $0x0  }
0x2c: {  	[sflag:s11] =	ssyncadd.s32 $0xFFFFD900  }
0x2d: {  	[tilespmem:s13], [sflag:$0x2] =	stream.linear.gather [hbm4b:s7+s3], $0x10, $0x38;
	[tilespmem:$0x2A80] =	vst v63  }
0x2e: {  	_ =	swait.ge [sflag:s11], $0x10  }
0x2f: {  	[sflag:s11] =	ssyncset.done $0x0  }
0x30: {  	[sflag:s11] =	ssyncadd.s32 $0xFFFFFFF0  }
0x31: {  	[bflag:$0x0] =	sbarrier.arrive $0xFFFF  }
0x32: {  	[spmem:s2] =	stream.indirect.scatter.add.f32 [tilespmem:s15], [sflag:$0x1], $0x1, s12, s14, $0xb8;
	[tilespmem:$0x2A80] =	vst v63  }
0x33: {  	_ = 	snop  }
0x34: {  	[spmem:s2] =	stream.indirect.scatter.add.f32 [tilespmem:s15], [sflag:$0x1], $0x1, s16, s14, $0xb8;
	[tilespmem:$0x2A80] =	vst v63  }
0x35: {  	_ = 	snop  }
0x36: {  	[spmem:s2] =	stream.indirect.scatter.add.f32 [tilespmem:s15], [sflag:$0x1], $0x1, s17, s14, $0xb8;
	[tilespmem:$0x2A80] =	vst v63  }
0x37: {  	_ = 	snop  }
0x38: {  	[spmem:s2] =	stream.indirect.scatter.add.f32 [tilespmem:s15], [sflag:$0x1], $0x1, s18, s14, $0xb8;
	[tilespmem:$0x2A80] =	vst v63  }
0x39: {  	_ =	swait.ge [sflag:s19], $0x80  }
0x3a: {  	[sflag:s19] =	ssyncset.done $0x0  }
0x3b: {  	s23 =	simm.s32 $0xA00;
	s24 =	simm.s32 $0x480;
	[sflag:s19] =	ssyncadd.s32 $0xFFFFFF80  }
.LBB2_2:
0x3c: {  	[spmem:s2] =	stream.indirect.scatter.add.f32 [tilespmem:s15], [sflag:$0x1], $0x1, s24, s14, $0xb8;
	[tilespmem:$0x2A80] =	vst v63  }
0x3d: {  	s24 =	smov.u32 s23;
	p0 =	sne.s32 s23, $0x9A00  }
.Ltmp0:
0x3e: {  	s23 =	sadd.s32 $0x200, s23;
	(pc) =	sbr.rel @p0 .LBB2_2-.Ltmp0, $4  }
0x3f: {  	_ = 	snop  }
0x40: {  	_ =	swait.ge [sflag:s19], $0x80  }
0x41: {  	s24 =	sshra.s32 s24, $0x2;
	[sflag:s19] =	ssyncset.done $0x0  }
0x42: {  	s24 =	sadd.s32 $0x280, s24;
	[sflag:s19] =	ssyncadd.s32 $0xFFFFFF80  }
0x43: {  	[spmem:s2] =	stream.indirect.scatter.add.f32 [tilespmem:s15], [sflag:$0x1], $0x1, s24, s14, $0xb8;
	[tilespmem:$0x2A80] =	vst v63  }
0x44: {  	_ = 	snop  }
0x45: {  	[spmem:s2] =	stream.indirect.scatter.add.f32 [tilespmem:s15], [sflag:$0x1], $0x1, s13, s14, $0xb8;
	[tilespmem:$0x2A80] =	vst v63  }
0x46: {  	_ =	swait.ge [sflag:s19], $0x80  }
0x47: {  	[sflag:s19] =	ssyncset.done $0x0  }
0x48: {  	[sflag:s19] =	ssyncadd.s32 $0xFFFFFF80  }
0x49: {  	_ =	swait.ge [sflag:s19], $0x80  }
0x4a: {  	[sflag:s19] =	ssyncset.done $0x0  }
0x4b: {  	[sflag:s19] =	ssyncadd.s32 $0xFFFFFF80  }
0x4c: {  	_ =	swait.ge [sflag:s19], $0x80  }
0x4d: {  	[sflag:s19] =	ssyncset.done $0x0  }
0x4e: {  	[sflag:s19] =	ssyncadd.s32 $0xFFFFFF80  }
0x4f: {  	_ =	swait.ge [sflag:s19], $0x80  }
0x50: {  	[sflag:s19] =	ssyncset.done $0x0  }
0x51: {  	[sflag:s19] =	ssyncadd.s32 $0xFFFFFF80  }
0x52: {  	_ =	swait.ge [sflag:s19], $0x80  }
0x53: {  	s22 =	sadd.s32 $0x1, s22;
	[sflag:s19] =	ssyncset.done $0x0  }
0x54: {  	p0 =	sne.s32 s22, s9;
	[sflag:s19] =	ssyncadd.s32 $0xFFFFFF80  }
.Ltmp1:
0x55: {  	[bflag:$0x0] =	sbarrier.arrive $0xFFFF;
	(pc) =	sbr.rel @p0 .LBB2_1-.Ltmp1, $4  }
0x56: {  	[hbm:s8@s20], [sflag:s6] =	dma.strided [spmem:s10@s21], $0x50, s19, $0x10   }
0x57: {  	_ =	swait.ge [sflag:s11], $0x50  }
0x58: {  	[sflag:s11] =	ssyncset.done $0x0  }
0x59: {  	[sflag:s11] =	ssyncadd.s32 $0xFFFFFFB0  }
0x5a: {  	_ =	sfence.sel $0x180000  }
0x5b: {  	[bflag:$0x0] =	sbarrier.arrive $0xFFFF  }
0x5c: {  	p0 =	sne.s32 s0, $0x0;
	_ =	strace $0x90000047  }
0x5d: {  	s0 =	sadd.s32 @!p0 $0x100000, s1;
	[bflag:$0x2] =	sbarrier.arrive $0xFFFF  }
0x5e: {  	[sflag:s0] =	ssyncadd.tile.s32 @!p0 $0x1;
	_ =	shalt  }
.Lfunc_end2:
_tile_overlayer_lowered:
.L_overlay_start_2:
0x5f: {  	(tag) =	ssettag $0x2  }
0x60: {  	s0 =	rddreg [dreg:$0x0];
	s2 =	stileid.u32  }
0x61: {  	s1 =	rddreg [dreg:$0x1];
	p0 =	sne.s32 s2, $0x0  }
0x62: {  	s3 =	rddreg [dreg:$0x2];
	[bflag:$0x3] =	sbarrier.arrive $0xFFFF;
	s2 =	simm.s32 @!p0 $0x1C02  }
0x63: {  	[timem:s3], [sflag:s2] =	dma.local @!p0 [hbm:s0], s1  }
0x64: {  	s0 =	simm.s32 @!p0 $0x2  }
0x65: {  	_ =	swait.ge @!p0 [sflag:s0], s1  }
0x66: {  	s1 =	ssub.s32 @!p0 $0x0, s1;
	[sflag:s0] =	ssyncset.done @!p0 $0x0  }
0x67: {  	[sflag:s0] =	ssyncadd.s32 @!p0 s1  }
0x68: {  	[bflag:$0x3] =	sbarrier.arrive $0xFFFF  }
0x69: {  	_ =	shalt  }

// kernel: kernel.9.cloned.1.call-start
scs
__scs_entry_jumppad:
0x0: {  	(pc) =	sbr.rel $0x88, $3  }
0x1: {  	(tag) =	ssettag $0x0;
	lr =	simm.s32 $0x1  }
0x2: {  	[smem:$0x3F9F] =	sst lr;
	_ =	strace $0xD0000000  }
0x3: {  	_ = 	snop  }
0x4: {  	_ = 	snop  }
0x5: {  	_ = 	snop  }
0x6: {  	_ = 	snop  }
0x7: {  	_ = 	snop  }
__scs_overlays_trampoline_lowered:
0x8: {  	[smem:$0x3FAE] =	sst s0  }
0x9: {  	[smem:$0x3FAF] =	sst s1  }
0xa: {  	[smem:$0x3FB0] =	sst s2  }
0xb: {  	[smem:$0x3FB1] =	sst s3  }
0xc: {  	[smem:$0x3FB2] =	sst s4  }
0xd: {  	[smem:$0x3FB3] =	sst s5  }
0xe: {  	[smem:$0x3FB4] =	sst s6  }
0xf: {  	[smem:$0x3FB5] =	sst s7  }
0x10: {  	[smem:$0x3FB6] =	sst s8  }
0x11: {  	[smem:$0x3FB7] =	sst s9;
	s0 =	simm.s32 @!p0 $0x0  }
0x12: {  	s1 =	sld [smem:$0x3F9D];
	s0 =	simm.s32 @p0 $0x1  }
0x13: {  	[smem:$0x3FB8] =	sst s0;
	s0 =	simm.s32 @!p1 $0x0  }
0x14: {  	s2 =	sld [smem:$0x3F9C];
	s0 =	simm.s32 @p1 $0x1  }
0x15: {  	[smem:$0x3FB9] =	sst s0;
	s0 =	simm.s32 @!p2 $0x0  }
0x16: {  	s3 =	sld [smem:$0x3FDB];
	s0 =	simm.s32 @p2 $0x1  }
0x17: {  	s4 =	simm.s32 $0x1BF5;
	[smem:$0x3FBB] =	sst s0  }
0x18: {  	s0 =	sld [smem:$0x3F9E];
	_ =	swait.ge [sflag:s4], $0x0  }
0x19: {  	s7 =	sld [smem:$0x3F9F]  }
0x1a: {  	s8 =	sadd.s32 $0xFFFFE003, lr  }
0x1b: {  	s9 =	sadd.s32 $0xFFFFFEF7, lr;
	s5 =	simm.s32 $0xFFFFFFFF;
	p2 =	slt.u32 s8, $0xFFFFF086  }
0x1c: {  	p1 =	slt.u32 s9, $0xF7A;
	s5 =	simm.s32 @!p2 $0x0  }
0x1d: {  	s5 =	simm.s32 @p1 $0x1;
	p0 =	seq.s32 s7, s2  }
0x1e: {  	s7 =	smul.u32 @!p0 $0xF7A, s2;
	p2 =	seq.s32 @!p0 s5, $0x0  }
0x1f: {  	s9 =	smul.u32 $0xF7A, s1;
	s8 =	simm.s32 @!p0 $0x1BF5;
	p2 =	por !p2, p0  }
0x20: {  	[sflag:s8] =	ssyncset.s32 @!p0 $0xFFFFF086;
	s6 =	sadd.s32 @!p0 s3, s7;
	s7 =	simm.s32 @!p0 $0x108  }
0x21: {  	s3 =	sadd.s32 s3, s9;
	s6 =	sadd.s32 @!p0 $0x88, s6;
	s7 =	simm.s32 @p2 $0x1082  }
0x22: {  	[simem:s7], [sflag:s8] =	dma.local @!p0 [hbm:s6], $0xF7A  }
0x23: {  	s9 =	sor.u32 $0xD0000000, s2;
	s6 =	simm.s32 $0x108;
	_ =	swait.ge @!p0 [sflag:s8], $0x0  }
0x24: {  	s3 =	sadd.s32 $0x88, s3;
	s6 =	simm.s32 @!p1 $0x1082;
	[sflag:s4] =	ssyncset.s32 $0xFFFFF086  }
0x25: {  	[simem:s6], [sflag:s4] =	dma.local [hbm:s3], $0xF7A  }
0x26: {  	[smem:$0x3F9F] =	sst s1;
	(tag) =	ssettag s2;
	_ =	strace s9  }
0x27: {  	s1 =	sld [smem:$0x3FAF]  }
0x28: {  	s2 =	sld [smem:$0x3FB0]  }
0x29: {  	s4 =	sld [smem:$0x3FB2]  }
0x2a: {  	p0 =	seq.s32 s5, $0x0;
	s5 =	sld [smem:$0x3FB3]  }
0x2b: {  	s6 =	sld [smem:$0x3FB4]  }
0x2c: {  	s7 =	sld [smem:$0x3FB5]  }
0x2d: {  	s3 =	simm.s32 $0x108;
	s8 =	sld [smem:$0x3FB6]  }
0x2e: {  	s3 =	simm.s32 @!p0 $0x1082;
	s9 =	sld [smem:$0x3FB7]  }
0x2f: {  	lr =	sadd.s32 s0, s3;
	s0 =	sld [smem:$0x3FAE]  }
0x30: {  	s3 =	sld [smem:$0x3FB1]  }
0x31: {  	[smem:$0x3FBA] =	sst s10  }
0x32: {  	s10 =	sld [smem:$0x3FB8];
	_ =	sdelay $0x3  }
0x33: {  	p0 =	seq.s32 s10, $0x1;
	s10 =	sld [smem:$0x3FBA];
	_ =	sdelay $0x3  }
0x34: {  	[smem:$0x3FBA] =	sst s10  }
0x35: {  	s10 =	sld [smem:$0x3FB9];
	_ =	sdelay $0x3  }
0x36: {  	p1 =	seq.s32 s10, $0x1;
	s10 =	sld [smem:$0x3FBA];
	_ =	sdelay $0x3  }
0x37: {  	[smem:$0x3FBA] =	sst s10  }
0x38: {  	s10 =	sld [smem:$0x3FBB]  }
0x39: {  	_ = 	snop;
	(pc) =	sbr.ind lr, $3  }
0x3a: {  	_ = 	snop  }
0x3b: {  	_ = 	snop  }
0x3c: {  	p2 =	seq.s32 s10, $0x1;
	s10 =	sld [smem:$0x3FBA]  }
0x3d: {  	_ =	shalt  }
0x3e: {  	_ =	shalt  }
0x3f: {  	_ =	shalt  }
0x40: {  	_ =	shalt  }
0x41: {  	_ =	shalt  }
0x42: {  	_ =	shalt  }
0x43: {  	_ =	shalt  }
0x44: {  	_ =	shalt  }
0x45: {  	_ =	shalt  }
0x46: {  	_ =	shalt  }
0x47: {  	_ =	shalt  }
0x48: {  	_ =	shalt  }
0x49: {  	_ =	shalt  }
0x4a: {  	_ =	shalt  }
0x4b: {  	_ =	shalt  }
0x4c: {  	_ =	shalt  }
0x4d: {  	_ =	shalt  }
0x4e: {  	_ =	shalt  }
0x4f: {  	_ =	shalt  }
0x50: {  	_ =	shalt  }
0x51: {  	_ =	shalt  }
0x52: {  	_ =	shalt  }
0x53: {  	_ =	shalt  }
0x54: {  	_ =	shalt  }
0x55: {  	_ =	shalt  }
0x56: {  	_ =	shalt  }
0x57: {  	_ =	shalt  }
0x58: {  	_ =	shalt  }
0x59: {  	_ =	shalt  }
0x5a: {  	_ =	shalt  }
0x5b: {  	_ =	shalt  }
0x5c: {  	_ =	shalt  }
0x5d: {  	_ =	shalt  }
0x5e: {  	_ =	shalt  }
0x5f: {  	_ =	shalt  }
0x60: {  	_ =	shalt  }
0x61: {  	_ =	shalt  }
0x62: {  	_ =	shalt  }
0x63: {  	_ =	shalt  }
0x64: {  	_ =	shalt  }
0x65: {  	_ =	shalt  }
0x66: {  	_ =	shalt  }
0x67: {  	_ =	shalt  }
0x68: {  	_ =	shalt  }
0x69: {  	_ =	shalt  }
0x6a: {  	_ =	shalt  }
0x6b: {  	_ =	shalt  }
0x6c: {  	_ =	shalt  }
0x6d: {  	_ =	shalt  }
0x6e: {  	_ =	shalt  }
0x6f: {  	_ =	shalt  }
0x70: {  	_ =	shalt  }
0x71: {  	_ =	shalt  }
0x72: {  	_ =	shalt  }
0x73: {  	_ =	shalt  }
0x74: {  	_ =	shalt  }
0x75: {  	_ =	shalt  }
0x76: {  	_ =	shalt  }
0x77: {  	_ =	shalt  }
0x78: {  	_ =	shalt  }
0x79: {  	_ =	shalt  }
0x7a: {  	_ =	shalt  }
0x7b: {  	_ =	shalt  }
0x7c: {  	_ =	shalt  }
0x7d: {  	_ =	shalt  }
0x7e: {  	_ =	shalt  }
0x7f: {  	_ =	shalt  }
0x80: {  	_ =	shalt  }
0x81: {  	_ =	shalt  }
0x82: {  	_ =	shalt  }
0x83: {  	_ =	shalt  }
0x84: {  	_ =	shalt  }
0x85: {  	_ =	shalt  }
0x86: {  	_ =	shalt  }
0x87: {  	_ =	shalt  }
.Lfunc_end0:
.L_simem_size_0:
called_computation.1_lowered:
.L_overlay_start_0:
0x88: {  	s2 =	sld [smem:$0x3FD9]  }
0x89: {  	s3 =	sld [smem:$0x3FFE];
	_ =	sdelay $0x1  }
0x8a: {  	s1 =	srdreg.scid  }
0x8b: {  	s0 =	sand.u32 $0x1, s1  }
0x8c: {  	s17 =	sshll.u32 s0, $0xA;
	s2 =	sadd.s32 s3, s2  }
0x8d: {  	s2 =	sadd.s32 s2, s17  }
0x8e: {  	[smem:$0x3FC6] =	sst s2  }
0x8f: {  	_ = 	snop  }
0x90: {  	s2 =	sld [smem:$0x3FD0];
	(tm) =	ssettm $0x1  }
0x91: {  	s18 =	sld [smem:$0x3FFB];
	_ =	sdelay $0x3  }
0x92: {  	_ =	strace s18  }
0x93: {  	s3 =	sld [smem:$0x3FFC];
	_ =	sdelay $0x3  }
0x94: {  	_ =	strace s3  }
0x95: {  	s3 =	sld [smem:$0x3FFD];
	_ =	sdelay $0x3  }
0x96: {  	_ =	strace s3  }
0x97: {  	_ =	strace $0x8FFFFFFF  }
0x98: {  	s19 =	sld [smem:$0x3FDB];
	_ =	sdelay $0x1  }
0x99: {  	s4 =	simm.s32 $_scs_section_size  }
0x9a: {  	s5 =	simm.s32 $_size__tile_overlayer_lowered;
	s6 =	simm.s32 $_tile_overlayer_lowered  }
0x9b: {  	s22 =	simm.s32 $0x1BFF;
	s21 =	sshll.u32 s6, $0x1;
	s3 =	sadd.s32 s4, s19  }
0x9c: {  	s7 =	simm.s32 $0x0;
	s20 =	sshll.u32 s5, $0x1;
	s5 =	sadd.s32 s21, s3  }
0x9d: {  	[timem:s7], [sflag:s22] =	dma.local [hbm:s5], s20  }
0x9e: {  	_ =	swait.ge [sflag:s22], s20  }
0x9f: {  	s4 =	ssub.s32 $0x0, s20;
	[sflag:s22] =	ssyncset.done $0x0  }
0xa0: {  	[sflag:s22] =	ssyncadd.s32 s4;
	_ =	sdelay $0x1  }
0xa1: {  	s23 =	simm.s32 $0x1B8B  }
0xa2: {  	_ =	swait.ge [sflag:s23], $0x1  }
0xa3: {  	[sflag:s23] =	ssyncset.done $0x0  }
0xa4: {  	s25 =	simm.s32 $0x1B8E;
	s24 =	sld [smem:$0x3FFE];
	[sflag:s23] =	ssyncadd.s32 $0xFFFFFFFF  }
0xa5: {  	s26 =	simm.s32 $execute0_lowered;
	[smem:$0x3FD2] =	sst s25  }
0xa6: {  	s5 =	sshll.u32 s26, $0x1;
	_ =	strace $0x80000049;
	[dreg:$0x1] =	wrdreg $0xFFFFFFFF  }
0xa7: {  	s28 =	simm.s32 $_size_execute0_lowered;
	s3 =	sadd.s32 s3, s5;
	[dreg:$0x0] =	wrdreg $0x0  }
0xa8: {  	s5 =	sshll.u32 s28, $0x1;
	[dreg:$0x2] =	wrdreg s3  }
0xa9: {  	[dreg:$0x3] =	wrdreg s5  }
0xaa: {  	[dreg:$0x4] =	wrdreg $0xC0  }
0xab: {  	_ =	task [dreg:s7], $0x5FFFF  }
0xac: {  	[dreg:$0x1] =	wrdreg $0xFFFFFFFF  }
0xad: {  	[dreg:$0x0] =	wrdreg $0x60  }
0xae: {  	[dreg:$0x2] =	wrdreg s2  }
0xaf: {  	[dreg:$0x3] =	wrdreg s24  }
0xb0: {  	[dreg:$0x4] =	wrdreg $0x0  }
0xb1: {  	[dreg:$0x5] =	wrdreg $0x9  }
0xb2: {  	_ =	task.clear_ibuf [dreg:s7], $0x6FFFF;
	_ =	strace $0x90000049  }
0xb3: {  	s29 =	simm.s32 $0x9;
	_ =	strace $0x8000004B  }
0xb4: {  	_ =	swait.ge [sflag:s29], $0x1  }
0xb5: {  	[sflag:s29] =	ssyncadd.s32 $0xFFFFFFFF  }
0xb6: {  	_ =	strace $0x9000004B  }
0xb7: {  	_ =	sfence  }
0xb8: {  	s30 =	sld [smem:$0x0];
	_ =	sdelay $0x2  }
0xb9: {  	s31 =	sshll.u32 s1, $0xD;
	s1 =	sshrl.u32 s1, $0x2  }
0xba: {  	s3 =	sand.u32 $0x4000, s31;
	s1 =	sadd.s32 s1, s30  }
0xbb: {  	s0 =	sor.u32 s3, s0;
	s1 =	sshll.u32 s1, $0x11  }
0xbc: {  	s0 =	sor.u32 s1, s0  }
0xbd: {  	s0 =	sadd.s32 $0x8F2B, s0  }
0xbe: {  	[sflag:s0] =	ssyncadd.remote.s32 $0x1  }
0xbf: {  	_ =	sfence.sel $0xFFFF  }
0xc0: {  	[dreg:$0x0] =	wrdreg $0xFFFFFFFF;
	(pc) =	sbr.abs _section_cstart, $3  }
0xc1: {  	[dreg:$0x1] =	wrdreg $0xFFFFFFFF  }
0xc2: {  	_ =	task.clear_ibuf [dreg:s7], $0x2FFFF;
	_ =	strace $0x9FFFFFFF  }
0xc3: {  	(tm) =	ssettm $0x7FFFFFFF  }
tec
execute0_lowered:
.L_overlay_start_1:
0x0: {  	(tag) =	ssettag $0x1  }
0x1: {  	s0 =	srdreg.scid;
	s1 =	rddreg [dreg:$0x0]  }
0x2: {  	s12 =	stileid.u32;
	s7 =	rddreg [dreg:$0x1]  }
0x3: {  	s3 =	rddreg [dreg:$0x2];
	s5 =	simm.s32 $0x0;
	s14 =	simm.s32 $0x9  }
0x4: {  	s17 =	simm.s32 $0x16800;
	s18 =	simm.s32 $0x16880;
	s19 =	simm.s32 $0x80  }
0x5: {  	s20 =	simm.s32 $0x16A00;
	s28 =	simm.s32 $0x2;
	s29 =	simm.s32 $0x7  }
0x6: {  	s30 =	simm.s32 $0x4;
	s31 =	simm.s32 $0x8;
	s0 =	sand.u32 $0x1, s0  }
0x7: {  	[smem:$0x7FF] =	sst s5;
	s9 =	smul.u32 $0x14000, s12;
	s6 =	sadd.s32 $0x1C00, s7  }
0x8: {  	s22 =	smul.u32 $0x50000, s12;
	s11 =	sadd.s32 $0x15C00, s7;
	s26 =	sshll.u32 s12, $0x6  }
0x9: {  	s2 =	sshll.u32 s0, $0x4;
	s21 =	smul.u32 $0x140000, s0;
	_ =	strace $0x8000004A  }
0xa: {  	s0 =	ssub.s32 $0x2, s0;
	[dreg:$0x4] =	wrdreg s11;
	s15 =	sor.u32 $0x1C09, s26  }
0xb: {  	s26 =	simm.s32 $0x6;
	s2 =	sor.u32 s12, s2;
	s23 =	sshrl.u32 s0, $0x1  }
0xc: {  	s24 =	sshrl.u32 s22, $0x2;
	s22 =	simm.s32 $0x5;
	s4 =	smul.u32 $0x2800, s2  }
0xd: {  	s2 =	sadd.s32 s9, s21;
	s0 =	ssub.s32 s0, s23;
	s21 =	simm.s32 $0x1AA00  }
0xe: {  	s23 =	simm.s32 $0x1;
	s2 =	sshrl.u32 s2, $0x3;
	s0 =	smax.u32 s0, $0x1  }
0xf: {  	s8 =	sshrl.u32 s4, $0x3;
	s2 =	sadd.s32 s2, s7;
	[dreg:$0x8] =	wrdreg s0  }
.Ltmp0:
0x10: {  	s0 =	simm.s32 $0x0;
	s10 =	sadd.s32 s8, s7;
	(pc) =	sbr.rel .LBB2_1-.Ltmp0, $4  }
0x11: {  	s7 =	sadd.s32 s24, s3;
	s9 =	sadd.s32 s6, s8;
	s2 =	sadd.s32 $0x18400, s2  }
0x12: {  	s24 =	simm.s32 $0x16900;
	s25 =	sadd.s32 $0xBC00, s10;
	[dreg:$0x7] =	wrdreg s2  }
0x13: {  	s8 =	sadd.s32 $0x10, s9;
	s16 =	sshrl.u32 s7, $0x3;
	[dreg:$0x5] =	wrdreg s25  }
0x14: {  	s2 =	simm.s32 $0x16980;
	[dreg:$0x6] =	wrdreg s8;
	s25 =	simm.s32 $0x3  }
.LBB2_4:
0x15: {  	_ =	swait.ge [sflag:s25], $0x4000  }
0x16: {  	[sflag:s25] =	ssyncset.done $0x0  }
0x17: {  	[sflag:s25] =	ssyncadd.s32 $0xFFFFC000  }
0x18: {  	_ =	swait.ge [sflag:s30], $0x4000  }
0x19: {  	[sflag:s30] =	ssyncset.done $0x0  }
0x1a: {  	[sflag:s30] =	ssyncadd.s32 $0xFFFFC000  }
0x1b: {  	[bflag:$0x0] =	sbarrier.arrive $0xFFFF  }
0x1c: {  	s7 =	rddreg [dreg:$0x7]  }
0x1d: {  	[hbm:s7], [sflag:s15] =	dma.local [spmem:s16], $0x2800  }
0x1e: {  	_ =	swait.ge [sflag:s14], $0x2800  }
0x1f: {  	s0 =	sadd.s32 $0x1, s0;
	s13 =	rddreg [dreg:$0x8]  }
0x20: {  	p0 =	sne.s32 s0, s13  }
.Ltmp1:
0x21: {  	_ = 	snop;
	(pc) =	sbr.rel @!p0 .LBB2_5-.Ltmp1, $3  }
0x22: {  	_ =	sdelay $0x1  }
0x23: {  	[sflag:s14] =	ssyncset.done $0x0  }
0x24: {  	[sflag:s14] =	ssyncadd.s32 $0xFFFFD800  }
.LBB2_1:
0x25: {  	s7 =	rddreg [dreg:$0x5];
	s8 =	simm.s32 $0x14000  }
0x26: {  	[tilespmem:s8], [sflag:$0x9] =	stream.linear.gather [hbm4b:s7+s5], $0x2780, $0x38;
	[tilespmem:$0x1EA00] =	vst v63  }
0x27: {  	_ =	swait.ge [sflag:s14], $0x2780  }
0x28: {  	[sflag:s14] =	ssyncset.done $0x0  }
0x29: {  	s12 =	rddreg [dreg:$0x4];
	[sflag:s14] =	ssyncadd.s32 $0xFFFFD880  }
0x2a: {  	[spmem:s16], [sflag:s15] =	dma.local [hbm:s12], $0x2800  }
0x2b: {  	_ =	swait.ge [sflag:s14], $0x2800  }
0x2c: {  	[sflag:s14] =	ssyncset.done $0x0  }
0x2d: {  	[sflag:s14] =	ssyncadd.s32 $0xFFFFD800  }
0x2e: {  	[tilespmem:s17], [sflag:$0x5] =	stream.linear.gather [hbm4b:s9+s5], $0x80, $0x38;
	[tilespmem:$0x1EA00] =	vst v63  }
0x2f: {  	s13 =	rddreg [dreg:$0x6]  }
0x30: {  	[tilespmem:s18], [sflag:$0x6] =	stream.linear.gather [hbm4b:s13+s5], $0x80, $0x38;
	[tilespmem:$0x1EA00] =	vst v63  }
0x31: {  	[bflag:$0x0] =	sbarrier.arrive $0xFFFF  }
0x32: {  	[tilespmem:s20], [sflag:$0x1] =	stream.indirect.gather [hbm4b:s1+s19], $0x80, s8, s19, $0xb8;
	[tilespmem:$0x1EA00] =	vst v63  }
0x33: {  	s10 =	simm.s32 $0x3;
	s7 =	simm.s32 $0x280;
	s8 =	simm.s32 $0x14100  }
.LBB2_2:
0x34: {  	p0 =	seq.s32 s7, $0x280  }
0x35: {  	s13 =	simm.s32 @!p0 $0x4  }
0x36: {  	_ =	swait.ge @!p0 [sflag:s13], $0x4000  }
0x37: {  	[sflag:s13] =	ssyncset.done @!p0 $0x0  }
0x38: {  	s11 =	sadd.s32 $0xFFFFFF80, s8;
	[sflag:s13] =	ssyncadd.s32 @!p0 $0xFFFFC000  }
0x39: {  	[tilespmem:s21], [sflag:$0x2] =	stream.indirect.gather [hbm4b:s1+s19], $0x80, s11, s19, $0xb8;
	[tilespmem:$0x1EA00] =	vst v63  }
0x3a: {  	_ =	swait.ge [sflag:s22], $0x80  }
0x3b: {  	s12 =	sadd.s32 $0xFFFFFD80, s7;
	[sflag:s22] =	ssyncset.done $0x0  }
0x3c: {  	s13 =	sand.u32 $0x3C00, s12;
	s11 =	sadd.s32 $0xFFFFFE80, s7;
	[sflag:s22] =	ssyncadd.s32 $0xFFFFFF80  }
0x3d: {  	s13 =	sadd.s32 s4, s13;
	s11 =	sand.u32 $0x300, s11;
	_ =	swait.ge [sflag:s23], $0x4000  }
0x3e: {  	s11 =	sor.u32 s13, s11;
	[sflag:s23] =	ssyncset.done $0x0  }
0x3f: {  	s11 =	sshrl.u32 s11, $0x3;
	[sflag:s23] =	ssyncadd.s32 $0xFFFFC000  }
0x40: {  	[spmem:s3] =	stream.indirect.scatter.add.f32 [tilespmem:s20], [sflag:$0x3], $0x80, s17, s19, $0xb8;
	[tilespmem:$0x1EA00] =	vst v63  }
0x41: {  	s11 =	sadd.s32 s6, s11  }
0x42: {  	[tilespmem:s24], [sflag:$0x7] =	stream.linear.gather [hbm4b:s11+s5], $0x80, $0x38;
	[tilespmem:$0x1EA00] =	vst v63  }
0x43: {  	_ =	swait.ge [sflag:s25], $0x4000  }
0x44: {  	[sflag:s25] =	ssyncset.done $0x0  }
0x45: {  	[sflag:s25] =	ssyncadd.s32 $0xFFFFC000  }
0x46: {  	[tilespmem:s20], [sflag:$0x1] =	stream.indirect.gather [hbm4b:s1+s19], $0x80, s8, s19, $0xb8;
	[tilespmem:$0x1EA00] =	vst v63  }
0x47: {  	_ =	swait.ge [sflag:s26], $0x80  }
0x48: {  	p0 =	sgt.u32 s10, $0x4E;
	[sflag:s26] =	ssyncset.done $0x0  }
0x49: {  	s11 =	sadd.s32 @!p0 $0xFFFFFF00, s7;
	[sflag:s26] =	ssyncadd.s32 $0xFFFFFF80  }
0x4a: {  	s11 =	sand.u32 @!p0 $0x380, s11;
	_ =	swait.ge [sflag:s28], $0x4000  }
0x4b: {  	s11 =	sor.u32 @!p0 s13, s11;
	[sflag:s28] =	ssyncset.done $0x0  }
0x4c: {  	s11 =	sshrl.u32 @!p0 s11, $0x3;
	[sflag:s28] =	ssyncadd.s32 $0xFFFFC000  }
0x4d: {  	[spmem:s3] =	stream.indirect.scatter.add.f32 [tilespmem:s21], [sflag:$0x4], $0x80, s18, s19, $0xb8;
	[tilespmem:$0x1EA00] =	vst v63  }
0x4e: {  	s12 =	simm.s32 @!p0 $0x16980;
	s13 =	simm.s32 @!p0 $0x0;
	s11 =	sadd.s32 @!p0 s6, s11  }
0x4f: {  	[tilespmem:s12], [sflag:$0x8] =	stream.linear.gather @!p0 [hbm4b:s11+s13], $0x80, $0x38;
	[tilespmem:$0x1EA00] =	vst v63  }
0x50: {  	s11 =	simm.s32 @!p0 $0x4  }
0x51: {  	_ =	swait.ge @!p0 [sflag:s11], $0x4000  }
0x52: {  	s12 =	simm.s32 @!p0 $0x80;
	[sflag:s11] =	ssyncset.done @!p0 $0x0  }
0x53: {  	s13 =	simm.s32 @!p0 $0x1AA00;
	[sflag:s11] =	ssyncadd.s32 @!p0 $0xFFFFC000;
	s11 =	sadd.s32 @!p0 $0x80, s8  }
0x54: {  	[tilespmem:s13], [sflag:$0x2] =	stream.indirect.gather @!p0 [hbm4b:s1+s12], $0x80, s11, s12, $0xb8;
	[tilespmem:$0x1EA00] =	vst v63  }
0x55: {  	_ =	swait.ge [sflag:s29], $0x80  }
0x56: {  	p0 =	seq.s32 s7, $0x2880;
	[sflag:s29] =	ssyncset.done $0x0  }
.Ltmp2:
0x57: {  	[sflag:s29] =	ssyncadd.s32 $0xFFFFFF80;
	(pc) =	sbr.rel @p0 .LBB2_4-.Ltmp2, $4  }
0x58: {  	_ =	swait.ge [sflag:s23], $0x4000  }
0x59: {  	[sflag:s23] =	ssyncset.done $0x0  }
0x5a: {  	[sflag:s23] =	ssyncadd.s32 $0xFFFFC000  }
0x5b: {  	[spmem:s3] =	stream.indirect.scatter.add.f32 [tilespmem:s20], [sflag:$0x3], $0x80, s24, s19, $0xb8;
	[tilespmem:$0x1EA00] =	vst v63  }
0x5c: {  	s11 =	sadd.s32 $0xFFFFFF80, s7  }
0x5d: {  	s12 =	sand.u32 $0x7C00, s11  }
0x5e: {  	s11 =	sand.u32 $0x200, s11;
	s12 =	sadd.s32 s4, s12  }
0x5f: {  	s11 =	sor.u32 s11, s12  }
0x60: {  	s11 =	sshrl.u32 s11, $0x3  }
0x61: {  	s11 =	sadd.s32 s6, s11  }
0x62: {  	[tilespmem:s17], [sflag:$0x5] =	stream.linear.gather [hbm4b:s11+s5], $0x80, $0x38;
	[tilespmem:$0x1EA00] =	vst v63  }
0x63: {  	_ =	swait.ge [sflag:s25], $0x4000  }
0x64: {  	[sflag:s25] =	ssyncset.done $0x0  }
0x65: {  	s13 =	sadd.s32 $0x100, s8;
	[sflag:s25] =	ssyncadd.s32 $0xFFFFC000  }
0x66: {  	[tilespmem:s20], [sflag:$0x1] =	stream.indirect.gather [hbm4b:s1+s19], $0x80, s13, s19, $0xb8;
	[tilespmem:$0x1EA00] =	vst v63  }
0x67: {  	_ =	swait.ge [sflag:s31], $0x80  }
0x68: {  	[sflag:s31] =	ssyncset.done $0x0  }
0x69: {  	s12 =	sand.u32 $0x7C00, s7;
	[sflag:s31] =	ssyncadd.s32 $0xFFFFFF80  }
0x6a: {  	s11 =	sadd.s32 s4, s12;
	s13 =	sand.u32 $0x280, s7;
	_ =	swait.ge [sflag:s28], $0x4000  }
.Ltmp3:
0x6b: {  	s11 =	sor.u32 s13, s11;
	[sflag:s28] =	ssyncset.done $0x0;
	(pc) =	sbr.rel .LBB2_2-.Ltmp3, $4  }
0x6c: {  	s8 =	sadd.s32 $0x200, s8;
	s11 =	sshrl.u32 s11, $0x3;
	[sflag:s28] =	ssyncadd.s32 $0xFFFFC000  }
0x6d: {  	[spmem:s3] =	stream.indirect.scatter.add.f32 [tilespmem:s21], [sflag:$0x4], $0x80, s2, s19, $0xb8;
	[tilespmem:$0x1EA00] =	vst v63  }
0x6e: {  	s10 =	sadd.s32 $0x4, s10;
	s7 =	sadd.s32 $0x200, s7;
	s11 =	sadd.s32 s6, s11  }
0x6f: {  	[tilespmem:s18], [sflag:$0x6] =	stream.linear.gather [hbm4b:s11+s5], $0x80, $0x38;
	[tilespmem:$0x1EA00] =	vst v63  }
.LBB2_5:
0x70: {  	_ =	sfence.sel $0x180000  }
0x71: {  	[bflag:$0x0] =	sbarrier.arrive $0xFFFF  }
0x72: {  	_ =	strace $0x9000004A  }
0x73: {  	s0 =	stileid.u32;
	[bflag:$0x2] =	sbarrier.arrive $0xFFFF  }
0x74: {  	p0 =	sne.s32 s0, $0x0;
	s0 =	rddreg [dreg:$0x3]  }
0x75: {  	s0 =	sadd.s32 @!p0 $0x100000, s0  }
0x76: {  	[sflag:s0] =	ssyncadd.tile.s32 @!p0 $0x1;
	_ =	shalt  }
.Lfunc_end2:
_tile_overlayer_lowered:
.L_overlay_start_2:
0x77: {  	(tag) =	ssettag $0x2  }
0x78: {  	s0 =	rddreg [dreg:$0x0];
	s2 =	stileid.u32  }
0x79: {  	s1 =	rddreg [dreg:$0x1];
	p0 =	sne.s32 s2, $0x0  }
0x7a: {  	s3 =	rddreg [dreg:$0x2];
	[bflag:$0x3] =	sbarrier.arrive $0xFFFF;
	s2 =	simm.s32 @!p0 $0x1C09  }
0x7b: {  	[timem:s3], [sflag:s2] =	dma.local @!p0 [hbm:s0], s1  }
0x7c: {  	s0 =	simm.s32 @!p0 $0x9  }
0x7d: {  	_ =	swait.ge @!p0 [sflag:s0], s1  }
0x7e: {  	s1 =	ssub.s32 @!p0 $0x0, s1;
	[sflag:s0] =	ssyncset.done @!p0 $0x0  }
0x7f: {  	[sflag:s0] =	ssyncadd.s32 @!p0 s1  }
0x80: {  	[bflag:$0x3] =	sbarrier.arrive $0xFFFF  }
0x81: {  	_ =	shalt  }

</sc_bundles>
